<compile_context>
chip_gen: v7x
topology: tpu7x:2x2x1
jax: 0.10.2.dev20260603
libtpu: 0.0.44.dev20260713+nightly
codegen_flags: <defaults>
</compile_context>

<pallas_src>
import functools
import math

import jax
import jax.numpy as jnp
from jax import lax
from jax.experimental import pallas as pl
from jax.experimental.pallas import tpu as pltpu
from jax.experimental.pallas import tpu_sc as plsc

LANES = 16
NUM_CORES = 2
NUM_SUBCORES = 16
NUM_WORKERS = NUM_CORES * NUM_SUBCORES


def _make_kernel(S, B, D):
    s_per_w = S // NUM_WORKERS
    chunk = 32
    n_chunk = (s_per_w * B) // chunk
    s_per_chunk = chunk // B
    s_half = s_per_chunk // 2
    jblk = D // 128
    mv = 128 // LANES
    kv = D // LANES
    scale = math.sqrt(D)

    mesh = plsc.VectorSubcoreMesh(core_axis_name="c", subcore_axis_name="s")

    @functools.partial(
        pl.kernel,
        mesh=mesh,
        out_type=jax.ShapeDtypeStruct((S, jblk, B, 128), jnp.float32),
        scratch_types=[
            pltpu.VMEM((n_chunk, chunk), jnp.int32),
            pltpu.VMEM((s_per_w, 1, D), jnp.float32),
            pltpu.VMEM((chunk, D), jnp.float32),
            pltpu.VMEM((chunk, D), jnp.float32),
            pltpu.VMEM((s_half, jblk, B, 128), jnp.float32),
            pltpu.VMEM((s_half, jblk, B, 128), jnp.float32),
            pltpu.SemaphoreType.DMA,
            pltpu.SemaphoreType.DMA,
            pltpu.SemaphoreType.DMA,
            pltpu.SemaphoreType.DMA,
        ],
    )
    def k(x_hbm, pe_hbm, table_hbm, out_hbm,
          idx_v, pe_v, g0, g1, o0, o1, gs0, gs1, os0, os1):
        wid = lax.axis_index("s") * NUM_CORES + lax.axis_index("c")
        sbase = wid * s_per_w

        pltpu.sync_copy(x_hbm.at[wid], idx_v)
        pltpu.sync_copy(pe_hbm.at[pl.ds(sbase, s_per_w)], pe_v)

        gbufs, obufs = (g0, g1), (o0, o1)
        gsems, osems = (gs0, gs1), (os0, os1)
        pltpu.async_copy(table_hbm.at[idx_v.at[0]], g0, gs0)
        pltpu.async_copy(table_hbm.at[idx_v.at[1]], g1, gs1)

        def pair_body(p, _):
            for par in range(2):
                c = 2 * p + par
                gb = gbufs[par]
                pltpu.make_async_copy(
                    table_hbm.at[idx_v.at[c]], gb, gsems[par]
                ).wait()

                for h in range(2):
                    ob = obufs[h]
                    s_off = c * s_per_chunk + h * s_half
                    r_off = h * s_half * B

                    @pl.when(c > 0)
                    def _drain(ob=ob, h=h):
                        pltpu.make_async_copy(
                            ob, out_hbm.at[pl.ds(0, s_half)], osems[h]
                        ).wait()

                    @plsc.parallel_loop(0, s_half)
                    def sloop(sl, gb=gb, ob=ob, s_off=s_off, r_off=r_off):
                        @plsc.parallel_loop(0, kv, unroll=8)
                        def jloop(jm, sl=sl, gb=gb, ob=ob,
                                  s_off=s_off, r_off=r_off):
                            j = jm // mv
                            m = jm % mv
                            col = jm * LANES
                            pv = pe_v[s_off + sl, 0, pl.ds(col, LANES)]
                            for b in range(B):
                                ob[sl, j, b, pl.ds(m * LANES, LANES)] = (
                                    gb[r_off + sl * B + b, pl.ds(col, LANES)]
                                    * scale + pv
                                )

                    pltpu.async_copy(
                        ob, out_hbm.at[pl.ds(sbase + s_off, s_half)], osems[h]
                    )

                @pl.when(c + 2 < n_chunk)
                def _prefetch(gb=gb, par=par, c=c):
                    pltpu.async_copy(
                        table_hbm.at[idx_v.at[c + 2]], gb, gsems[par]
                    )

            return 0

        lax.fori_loop(0, n_chunk // 2, pair_body, 0)

        pltpu.make_async_copy(o0, out_hbm.at[pl.ds(0, s_half)], os0).wait()
        pltpu.make_async_copy(o1, out_hbm.at[pl.ds(0, s_half)], os1).wait()

    return k


@jax.jit
def kernel(x, table, pe):
    S, B = x.shape
    V, D = table.shape
    x_w = x.astype(jnp.int32).reshape(NUM_WORKERS, -1, 32)
    k = _make_kernel(S, B, D)
    out4 = k(x_w, pe, table)
    return jnp.swapaxes(out4, 1, 2).reshape(S, B, D)

# --- scband reference (transcript-rebuilt; emitter-appended) ---
"""Pipeline reference for scband-embeddings-with-learned-positional-encoding-7490422964368 (READ-ONLY COPY).

The authoritative reference and input builder live on the scoring server;
editing this copy changes nothing except your own understanding.
"""

import math
import jax, jax.numpy as jnp
import numpy as np

D_MODEL = 768
N_VOCAB = 100000
MAX_LEN = 8192
SEQ_LEN = 2048
BATCH = 4


def setup_inputs(seed: int = 0) -> dict:
    key = jax.random.key(seed)
    k1, k2, k3 = jax.random.split(key, 3)
    x = jax.random.randint(k1, (SEQ_LEN, BATCH), 0, N_VOCAB, dtype=jnp.int64 if jax.config.jax_enable_x64 else jnp.int32)
    table = jax.random.normal(k2, (N_VOCAB, D_MODEL), dtype=jnp.float32) * 0.02
    pe = jax.random.normal(k3, (MAX_LEN, 1, D_MODEL), dtype=jnp.float32) * 0.02
    return {"x": x, "table": table, "pe": pe}


def reference(x, table, pe):
    # slice positional encodings to sequence length (seq-first layout)
    pe_slice = pe[: x.shape[0]]  # [S, 1, d_model]
    emb = jnp.take(table, x, axis=0)  # [S, B, d_model] gather
    return emb * math.sqrt(D_MODEL) + pe_slice

if __name__ == "__main__":
    import jax
    _d = setup_inputs()
    print(jax.jit(kernel)(*tuple(_d.values())))

</pallas_src>

<mosaic_0001>
#map = affine_map<(d0, d1) -> (0, 0, 0)>
#map1 = affine_map<(d0, d1) -> (0, 0)>
#map2 = affine_map<(d0, d1) -> (0, 0, 0, 0)>
module attributes {stable_mosaic.version = 14 : i64} {
  func.func @k(%arg0: i32, %arg1: i32, %arg2: memref<32x8x32xi32, #tpu.memory_space<hbm>>, %arg3: memref<8192x1x768xf32, #tpu.memory_space<hbm>>, %arg4: memref<100000x768xf32, #tpu.memory_space<hbm>>, %arg5: memref<2048x6x4x128xf32, #tpu.memory_space<hbm>>, %arg6: memref<8x32xi32, #tpu.memory_space<vmem>>, %arg7: memref<64x1x768xf32, #tpu.memory_space<vmem>>, %arg8: memref<32x768xf32, #tpu.memory_space<vmem>>, %arg9: memref<32x768xf32, #tpu.memory_space<vmem>>, %arg10: memref<4x6x4x128xf32, #tpu.memory_space<vmem>>, %arg11: memref<4x6x4x128xf32, #tpu.memory_space<vmem>>, %arg12: memref<!tpu.dma_semaphore, #tpu.memory_space<semaphore_mem>>, %arg13: memref<!tpu.dma_semaphore, #tpu.memory_space<semaphore_mem>>, %arg14: memref<!tpu.dma_semaphore, #tpu.memory_space<semaphore_mem>>, %arg15: memref<!tpu.dma_semaphore, #tpu.memory_space<semaphore_mem>>) attributes {dimension_semantics = [#tpu.dimension_semantics<core_parallel>, #tpu.dimension_semantics<subcore_parallel>], iteration_bounds = array<i64: 2, 16>, scalar_prefetch = 0 : i64, scratch_operands = 10 : i64, tpu.core_type = #tpu.core_type<sc_vector_subcore>, window_params = [{transform_indices = #map}, {transform_indices = #map}, {transform_indices = #map1}, {transform_indices = #map2}]} {
    %mul3A = arith.constant 2 : i32
    %mul3A_0 = arith.muli %arg1, %mul3A : i32
    %add3A = arith.addi %mul3A_0, %arg0 : i32
    %mul3A_1 = arith.constant 64 : i32
    %mul3A_2 = arith.muli %add3A, %mul3A_1 : i32
    "tpu.region"() ({
      %run_scoped3A = tpu.sem_alloc : memref<!tpu.dma_semaphore, #tpu.memory_space<semaphore_mem>>
      %dma_start3A_41 = arith.constant 0 : i32
      %dma_start3A_42 = arith.constant 0 : i32
      %dma_start3A_43 = tpu.memref_slice %arg2[%add3A, %dma_start3A_41, %dma_start3A_42] : memref<32x8x32xi32, #tpu.memory_space<hbm>> -> memref<1x8x32xi32, #tpu.memory_space<hbm>>
      %dma_start3A_44 = tpu.memref_squeeze %dma_start3A_43 : memref<1x8x32xi32, #tpu.memory_space<hbm>> -> memref<8x32xi32, #tpu.memory_space<hbm>>
      %dma_start3A_45 = arith.constant 0 : i32
      %dma_start3A_46 = arith.constant 0 : i32
      %dma_start3A_47 = tpu.memref_slice %arg2[%add3A, %dma_start3A_45, %dma_start3A_46] : memref<32x8x32xi32, #tpu.memory_space<hbm>> -> memref<1x8x32xi32, #tpu.memory_space<hbm>>
      %dma_start3A_48 = tpu.memref_squeeze %dma_start3A_47 : memref<1x8x32xi32, #tpu.memory_space<hbm>> -> memref<8x32xi32, #tpu.memory_space<hbm>>
      tpu.enqueue_dma source(%dma_start3A_48 : memref<8x32xi32, #tpu.memory_space<hbm>>) target(%arg6 : memref<8x32xi32, #tpu.memory_space<vmem>>) target_semaphore(%run_scoped3A : memref<!tpu.dma_semaphore, #tpu.memory_space<semaphore_mem>>)
      %dma_wait3A_49 = arith.constant 0 : i32
      %dma_wait3A_50 = arith.constant 0 : i32
      %dma_wait3A_51 = tpu.memref_slice %arg2[%add3A, %dma_wait3A_49, %dma_wait3A_50] : memref<32x8x32xi32, #tpu.memory_space<hbm>> -> memref<1x8x32xi32, #tpu.memory_space<hbm>>
      %dma_wait3A_52 = tpu.memref_squeeze %dma_wait3A_51 : memref<1x8x32xi32, #tpu.memory_space<hbm>> -> memref<8x32xi32, #tpu.memory_space<hbm>>
      %dma_wait3A_53 = arith.constant 0 : i32
      %dma_wait3A_54 = arith.constant 0 : i32
      %dma_wait3A_55 = tpu.memref_slice %arg2[%add3A, %dma_wait3A_53, %dma_wait3A_54] : memref<32x8x32xi32, #tpu.memory_space<hbm>> -> memref<1x8x32xi32, #tpu.memory_space<hbm>>
      %dma_wait3A_56 = tpu.memref_squeeze %dma_wait3A_55 : memref<1x8x32xi32, #tpu.memory_space<hbm>> -> memref<8x32xi32, #tpu.memory_space<hbm>>
      tpu.wait_dma2 semaphore(%run_scoped3A : memref<!tpu.dma_semaphore, #tpu.memory_space<semaphore_mem>>) src(%dma_wait3A_56 : memref<8x32xi32, #tpu.memory_space<hbm>>) dst(%arg6 : memref<8x32xi32, #tpu.memory_space<vmem>>)
      tpu.yield
    }) : () -> ()
    "tpu.region"() ({
      %run_scoped3A = tpu.sem_alloc : memref<!tpu.dma_semaphore, #tpu.memory_space<semaphore_mem>>
      %dma_start3A_41 = arith.constant 0 : i32
      %dma_start3A_42 = arith.constant 0 : i32
      %dma_start3A_43 = tpu.memref_slice %arg3[%mul3A_2, %dma_start3A_41, %dma_start3A_42] : memref<8192x1x768xf32, #tpu.memory_space<hbm>> -> memref<64x1x768xf32, #tpu.memory_space<hbm>>
      %dma_start3A_44 = arith.constant 0 : i32
      %dma_start3A_45 = arith.constant 0 : i32
      %dma_start3A_46 = tpu.memref_slice %arg3[%mul3A_2, %dma_start3A_44, %dma_start3A_45] : memref<8192x1x768xf32, #tpu.memory_space<hbm>> -> memref<64x1x768xf32, #tpu.memory_space<hbm>>
      tpu.enqueue_dma source(%dma_start3A_46 : memref<64x1x768xf32, #tpu.memory_space<hbm>>) target(%arg7 : memref<64x1x768xf32, #tpu.memory_space<vmem>>) target_semaphore(%run_scoped3A : memref<!tpu.dma_semaphore, #tpu.memory_space<semaphore_mem>>)
      %dma_wait3A_47 = arith.constant 0 : i32
      %dma_wait3A_48 = arith.constant 0 : i32
      %dma_wait3A_49 = tpu.memref_slice %arg3[%mul3A_2, %dma_wait3A_47, %dma_wait3A_48] : memref<8192x1x768xf32, #tpu.memory_space<hbm>> -> memref<64x1x768xf32, #tpu.memory_space<hbm>>
      %dma_wait3A_50 = arith.constant 0 : i32
      %dma_wait3A_51 = arith.constant 0 : i32
      %dma_wait3A_52 = tpu.memref_slice %arg3[%mul3A_2, %dma_wait3A_50, %dma_wait3A_51] : memref<8192x1x768xf32, #tpu.memory_space<hbm>> -> memref<64x1x768xf32, #tpu.memory_space<hbm>>
      tpu.wait_dma2 semaphore(%run_scoped3A : memref<!tpu.dma_semaphore, #tpu.memory_space<semaphore_mem>>) src(%dma_wait3A_52 : memref<64x1x768xf32, #tpu.memory_space<hbm>>) dst(%arg7 : memref<64x1x768xf32, #tpu.memory_space<vmem>>)
      tpu.yield
    }) : () -> ()
    %dma_start3A = arith.constant 0 : i32
    %dma_start3A_3 = arith.constant 0 : i32
    %dma_start3A_4 = tpu.memref_slice %arg6[%dma_start3A, %dma_start3A_3] : memref<8x32xi32, #tpu.memory_space<vmem>> -> memref<1x32xi32, #tpu.memory_space<vmem>>
    %dma_start3A_5 = tpu.memref_squeeze %dma_start3A_4 : memref<1x32xi32, #tpu.memory_space<vmem>> -> memref<32xi32, #tpu.memory_space<vmem>>
    %dma_start3A_6 = arith.constant 0 : i32
    %dma_start3A_7 = arith.constant 0 : i32
    %dma_start3A_8 = tpu.memref_slice %arg4[%dma_start3A_6, %dma_start3A_7] : memref<100000x768xf32, #tpu.memory_space<hbm>> -> memref<100000x768xf32, #tpu.memory_space<hbm>>
    tpu.enqueue_indirect_dma source(%dma_start3A_8 : memref<100000x768xf32, #tpu.memory_space<hbm>>) target(%arg8 : memref<32x768xf32, #tpu.memory_space<vmem>>) offsets(%dma_start3A_5 : memref<32xi32, #tpu.memory_space<vmem>>) semaphore(%arg12 : memref<!tpu.dma_semaphore, #tpu.memory_space<semaphore_mem>>)
    %dma_start3A_9 = arith.constant 1 : i32
    %dma_start3A_10 = arith.constant 0 : i32
    %dma_start3A_11 = tpu.memref_slice %arg6[%dma_start3A_9, %dma_start3A_10] : memref<8x32xi32, #tpu.memory_space<vmem>> -> memref<1x32xi32, #tpu.memory_space<vmem>>
    %dma_start3A_12 = tpu.memref_squeeze %dma_start3A_11 : memref<1x32xi32, #tpu.memory_space<vmem>> -> memref<32xi32, #tpu.memory_space<vmem>>
    %dma_start3A_13 = arith.constant 0 : i32
    %dma_start3A_14 = arith.constant 0 : i32
    %dma_start3A_15 = tpu.memref_slice %arg4[%dma_start3A_13, %dma_start3A_14] : memref<100000x768xf32, #tpu.memory_space<hbm>> -> memref<100000x768xf32, #tpu.memory_space<hbm>>
    tpu.enqueue_indirect_dma source(%dma_start3A_15 : memref<100000x768xf32, #tpu.memory_space<hbm>>) target(%arg9 : memref<32x768xf32, #tpu.memory_space<vmem>>) offsets(%dma_start3A_12 : memref<32xi32, #tpu.memory_space<vmem>>) semaphore(%arg13 : memref<!tpu.dma_semaphore, #tpu.memory_space<semaphore_mem>>)
    %scan3A = arith.constant 0 : i32
    %scan3A_16 = arith.constant 0 : i32
    %scan3A_17 = arith.constant 4 : i32
    %scan3A_18 = arith.addi %scan3A_16, %scan3A_17 : i32
    %scan3A_19 = arith.constant 1 : i32
    %scan3A_20 = scf.for %scan3A_41 = %scan3A_16 to %scan3A_18 step %scan3A_19 iter_args(%scan3A_42 = %scan3A) -> (i32)  : i32 {
      %mul3A_43 = arith.constant 2 : i32
      %mul3A_44 = arith.muli %mul3A_43, %scan3A_41 : i32
      %add3A_45 = arith.constant 0 : i32
      %add3A_46 = arith.addi %mul3A_44, %add3A_45 : i32
      %dma_wait3A_47 = arith.constant 0 : i32
      %dma_wait3A_48 = tpu.memref_slice %arg6[%add3A_46, %dma_wait3A_47] : memref<8x32xi32, #tpu.memory_space<vmem>> -> memref<1x32xi32, #tpu.memory_space<vmem>>
      %dma_wait3A_49 = tpu.memref_squeeze %dma_wait3A_48 : memref<1x32xi32, #tpu.memory_space<vmem>> -> memref<32xi32, #tpu.memory_space<vmem>>
      %dma_wait3A_50 = arith.constant 0 : i32
      %dma_wait3A_51 = arith.constant 0 : i32
      %dma_wait3A_52 = tpu.memref_slice %arg4[%dma_wait3A_50, %dma_wait3A_51] : memref<100000x768xf32, #tpu.memory_space<hbm>> -> memref<100000x768xf32, #tpu.memory_space<hbm>>
      tpu.wait_indirect_dma semaphore(%arg12 : memref<!tpu.dma_semaphore, #tpu.memory_space<semaphore_mem>>) src(%dma_wait3A_52 : memref<100000x768xf32, #tpu.memory_space<hbm>>) dst(%arg8 : memref<32x768xf32, #tpu.memory_space<vmem>>)
      %mul3A_53 = arith.constant 8 : i32
      %mul3A_54 = arith.muli %add3A_46, %mul3A_53 : i32
      %add3A_55 = arith.constant 0 : i32
      %add3A_56 = arith.addi %mul3A_54, %add3A_55 : i32
      %gt3A = arith.constant 0 : i32
      %gt3A_57 = arith.cmpi sgt, %add3A_46, %gt3A : i32
      %convert_element_type3A = arith.extui %gt3A_57 : i1 to i32
      %cond3A = arith.constant 0 : i32
      %cond3A_58 = arith.cmpi ne, %convert_element_type3A, %cond3A : i32
      scf.if %cond3A_58 {
        %dma_wait3A_157 = arith.constant 0 : i32
        %dma_wait3A_158 = arith.constant 0 : i32
        %dma_wait3A_159 = arith.constant 0 : i32
        %dma_wait3A_160 = arith.constant 0 : i32
        %dma_wait3A_161 = tpu.memref_slice %arg5[%dma_wait3A_157, %dma_wait3A_158, %dma_wait3A_159, %dma_wait3A_160] : memref<2048x6x4x128xf32, #tpu.memory_space<hbm>> -> memref<4x6x4x128xf32, #tpu.memory_space<hbm>>
        %dma_wait3A_162 = arith.constant 0 : i32
        %dma_wait3A_163 = arith.constant 0 : i32
        %dma_wait3A_164 = arith.constant 0 : i32
        %dma_wait3A_165 = arith.constant 0 : i32
        %dma_wait3A_166 = tpu.memref_slice %arg5[%dma_wait3A_162, %dma_wait3A_163, %dma_wait3A_164, %dma_wait3A_165] : memref<2048x6x4x128xf32, #tpu.memory_space<hbm>> -> memref<4x6x4x128xf32, #tpu.memory_space<hbm>>
        tpu.wait_dma2 semaphore(%arg14 : memref<!tpu.dma_semaphore, #tpu.memory_space<semaphore_mem>>) src(%arg10 : memref<4x6x4x128xf32, #tpu.memory_space<vmem>>) dst(%dma_wait3A_166 : memref<4x6x4x128xf32, #tpu.memory_space<hbm>>)
      } else {
      }
      %parallel_loop3A = arith.constant 0 : i32
      %parallel_loop3A_59 = arith.constant 4 : i32
      %parallel_loop3A_60 = arith.constant 1 : i32
      scf.for %parallel_loop3A_157 = %parallel_loop3A to %parallel_loop3A_59 step %parallel_loop3A_60  : i32 {
        %parallel_loop3A_158 = arith.constant 0 : i32
        %parallel_loop3A_159 = arith.constant 48 : i32
        %parallel_loop3A_160 = arith.constant 1 : i32
        scf.for %parallel_loop3A_161 = %parallel_loop3A_158 to %parallel_loop3A_159 step %parallel_loop3A_160  : i32 {
          %parallel_loop3A_162 = arith.constant 8 : i32
          %parallel_loop3A_163 = arith.divsi %parallel_loop3A_161, %parallel_loop3A_162 : i32
          %parallel_loop3A_164 = arith.constant 0 : i32
          %parallel_loop3A_165 = arith.cmpi sgt, %parallel_loop3A_161, %parallel_loop3A_164 : i32
          %parallel_loop3A_166 = arith.extui %parallel_loop3A_165 : i1 to i32
          %parallel_loop3A_167 = arith.constant 0 : i32
          %parallel_loop3A_168 = arith.cmpi slt, %parallel_loop3A_161, %parallel_loop3A_167 : i32
          %parallel_loop3A_169 = arith.extui %parallel_loop3A_168 : i1 to i32
          %parallel_loop3A_170 = arith.subi %parallel_loop3A_166, %parallel_loop3A_169 : i32
          %parallel_loop3A_171 = arith.constant 0 : i32
          %parallel_loop3A_172 = arith.cmpi sgt, %parallel_loop3A_162, %parallel_loop3A_171 : i32
          %parallel_loop3A_173 = arith.extui %parallel_loop3A_172 : i1 to i32
          %parallel_loop3A_174 = arith.constant 0 : i32
          %parallel_loop3A_175 = arith.cmpi slt, %parallel_loop3A_162, %parallel_loop3A_174 : i32
          %parallel_loop3A_176 = arith.extui %parallel_loop3A_175 : i1 to i32
          %parallel_loop3A_177 = arith.subi %parallel_loop3A_173, %parallel_loop3A_176 : i32
          %parallel_loop3A_178 = arith.cmpi ne, %parallel_loop3A_170, %parallel_loop3A_177 : i32
          %parallel_loop3A_179 = arith.remsi %parallel_loop3A_161, %parallel_loop3A_162 : i32
          %parallel_loop3A_180 = arith.constant 0 : i32
          %parallel_loop3A_181 = arith.cmpi ne, %parallel_loop3A_179, %parallel_loop3A_180 : i32
          %parallel_loop3A_182 = arith.andi %parallel_loop3A_178, %parallel_loop3A_181 : i1
          %parallel_loop3A_183 = arith.constant 1 : i32
          %parallel_loop3A_184 = arith.subi %parallel_loop3A_163, %parallel_loop3A_183 : i32
          %parallel_loop3A_185 = arith.select %parallel_loop3A_182, %parallel_loop3A_184, %parallel_loop3A_163 : i32
          %parallel_loop3A_186 = arith.constant 8 : i32
          %parallel_loop3A_187 = arith.constant 0 : i32
          %parallel_loop3A_188 = arith.cmpi eq, %parallel_loop3A_186, %parallel_loop3A_187 : i32
          %parallel_loop3A_189 = arith.constant 1 : i32
          %parallel_loop3A_190 = arith.select %parallel_loop3A_188, %parallel_loop3A_189, %parallel_loop3A_186 : i32
          %parallel_loop3A_191 = arith.remsi %parallel_loop3A_161, %parallel_loop3A_190 : i32
          %parallel_loop3A_192 = arith.constant 0 : i32
          %parallel_loop3A_193 = arith.cmpi ne, %parallel_loop3A_191, %parallel_loop3A_192 : i32
          %parallel_loop3A_194 = arith.constant 0 : i32
          %parallel_loop3A_195 = arith.cmpi slt, %parallel_loop3A_191, %parallel_loop3A_194 : i32
          %parallel_loop3A_196 = arith.constant 0 : i32
          %parallel_loop3A_197 = arith.cmpi slt, %parallel_loop3A_190, %parallel_loop3A_196 : i32
          %parallel_loop3A_198 = arith.xori %parallel_loop3A_195, %parallel_loop3A_197 : i1
          %parallel_loop3A_199 = arith.andi %parallel_loop3A_198, %parallel_loop3A_193 : i1
          %parallel_loop3A_200 = arith.addi %parallel_loop3A_191, %parallel_loop3A_190 : i32
          %parallel_loop3A_201 = arith.select %parallel_loop3A_199, %parallel_loop3A_200, %parallel_loop3A_191 : i32
          %parallel_loop3A_202 = arith.constant 16 : i32
          %parallel_loop3A_203 = arith.muli %parallel_loop3A_161, %parallel_loop3A_202 : i32
          %parallel_loop3A_204 = arith.addi %add3A_56, %parallel_loop3A_157 : i32
          %parallel_loop3A_205 = arith.constant 0 : i32
          %parallel_loop3A_206 = arith.index_cast %parallel_loop3A_204 : i32 to index
          %parallel_loop3A_207 = arith.index_cast %parallel_loop3A_205 : i32 to index
          %parallel_loop3A_208 = arith.index_cast %parallel_loop3A_203 : i32 to index
          %parallel_loop3A_209 = tpu.vector_load %arg7[%parallel_loop3A_206, %parallel_loop3A_207, %parallel_loop3A_208] {strides = array<i32>} : memref<64x1x768xf32, #tpu.memory_space<vmem>>, vector<1x1x16xf32>,
          %parallel_loop3A_210 = vector.shape_cast %parallel_loop3A_209 : vector<1x1x16xf32> to vector<16xf32>
          %parallel_loop3A_211 = arith.constant 4 : i32
          %parallel_loop3A_212 = arith.muli %parallel_loop3A_157, %parallel_loop3A_211 : i32
          %parallel_loop3A_213 = arith.constant 0 : i32
          %parallel_loop3A_214 = arith.addi %parallel_loop3A_213, %parallel_loop3A_212 : i32
          %parallel_loop3A_215 = arith.constant 0 : i32
          %parallel_loop3A_216 = arith.addi %parallel_loop3A_214, %parallel_loop3A_215 : i32
          %parallel_loop3A_217 = arith.index_cast %parallel_loop3A_216 : i32 to index
          %parallel_loop3A_218 = arith.index_cast %parallel_loop3A_203 : i32 to index
          %parallel_loop3A_219 = tpu.vector_load %arg8[%parallel_loop3A_217, %parallel_loop3A_218] {strides = array<i32>} : memref<32x768xf32, #tpu.memory_space<vmem>>, vector<1x16xf32>,
          %parallel_loop3A_220 = vector.shape_cast %parallel_loop3A_219 : vector<1x16xf32> to vector<16xf32>
          %parallel_loop3A_221 = arith.constant 27.7128124 : f32
          %parallel_loop3A_222 = vector.broadcast %parallel_loop3A_221 : f32 to vector<16xf32>
          %parallel_loop3A_223 = arith.mulf %parallel_loop3A_220, %parallel_loop3A_222 : vector<16xf32>
          %parallel_loop3A_224 = arith.addf %parallel_loop3A_223, %parallel_loop3A_210 : vector<16xf32>
          %parallel_loop3A_225 = arith.constant 16 : i32
          %parallel_loop3A_226 = arith.muli %parallel_loop3A_201, %parallel_loop3A_225 : i32
          %parallel_loop3A_227 = arith.constant 0 : i32
          %parallel_loop3A_228 = arith.index_cast %parallel_loop3A_157 : i32 to index
          %parallel_loop3A_229 = arith.index_cast %parallel_loop3A_185 : i32 to index
          %parallel_loop3A_230 = arith.index_cast %parallel_loop3A_227 : i32 to index
          %parallel_loop3A_231 = arith.index_cast %parallel_loop3A_226 : i32 to index
          %parallel_loop3A_232 = tpu.vector_load %arg10[%parallel_loop3A_228, %parallel_loop3A_229, %parallel_loop3A_230, %parallel_loop3A_231] {strides = array<i32>} : memref<4x6x4x128xf32, #tpu.memory_space<vmem>>, vector<1x1x1x16xf32>,
          %parallel_loop3A_233 = vector.shape_cast %parallel_loop3A_232 : vector<1x1x1x16xf32> to vector<16xf32>
          %parallel_loop3A_234 = vector.shape_cast %parallel_loop3A_224 : vector<16xf32> to vector<1x1x1x16xf32>
          tpu.vector_store %arg10[%parallel_loop3A_228, %parallel_loop3A_229, %parallel_loop3A_230, %parallel_loop3A_231], %parallel_loop3A_234 {strides = array<i32>} : memref<4x6x4x128xf32, #tpu.memory_space<vmem>>, vector<1x1x1x16xf32>,
          %parallel_loop3A_235 = arith.constant 4 : i32
          %parallel_loop3A_236 = arith.muli %parallel_loop3A_157, %parallel_loop3A_235 : i32
          %parallel_loop3A_237 = arith.constant 0 : i32
          %parallel_loop3A_238 = arith.addi %parallel_loop3A_237, %parallel_loop3A_236 : i32
          %parallel_loop3A_239 = arith.constant 1 : i32
          %parallel_loop3A_240 = arith.addi %parallel_loop3A_238, %parallel_loop3A_239 : i32
          %parallel_loop3A_241 = arith.index_cast %parallel_loop3A_240 : i32 to index
          %parallel_loop3A_242 = arith.index_cast %parallel_loop3A_203 : i32 to index
          %parallel_loop3A_243 = tpu.vector_load %arg8[%parallel_loop3A_241, %parallel_loop3A_242] {strides = array<i32>} : memref<32x768xf32, #tpu.memory_space<vmem>>, vector<1x16xf32>,
          %parallel_loop3A_244 = vector.shape_cast %parallel_loop3A_243 : vector<1x16xf32> to vector<16xf32>
          %parallel_loop3A_245 = arith.constant 27.7128124 : f32
          %parallel_loop3A_246 = vector.broadcast %parallel_loop3A_245 : f32 to vector<16xf32>
          %parallel_loop3A_247 = arith.mulf %parallel_loop3A_244, %parallel_loop3A_246 : vector<16xf32>
          %parallel_loop3A_248 = arith.addf %parallel_loop3A_247, %parallel_loop3A_210 : vector<16xf32>
          %parallel_loop3A_249 = arith.constant 16 : i32
          %parallel_loop3A_250 = arith.muli %parallel_loop3A_201, %parallel_loop3A_249 : i32
          %parallel_loop3A_251 = arith.constant 1 : i32
          %parallel_loop3A_252 = arith.index_cast %parallel_loop3A_157 : i32 to index
          %parallel_loop3A_253 = arith.index_cast %parallel_loop3A_185 : i32 to index
          %parallel_loop3A_254 = arith.index_cast %parallel_loop3A_251 : i32 to index
          %parallel_loop3A_255 = arith.index_cast %parallel_loop3A_250 : i32 to index
          %parallel_loop3A_256 = tpu.vector_load %arg10[%parallel_loop3A_252, %parallel_loop3A_253, %parallel_loop3A_254, %parallel_loop3A_255] {strides = array<i32>} : memref<4x6x4x128xf32, #tpu.memory_space<vmem>>, vector<1x1x1x16xf32>,
          %parallel_loop3A_257 = vector.shape_cast %parallel_loop3A_256 : vector<1x1x1x16xf32> to vector<16xf32>
          %parallel_loop3A_258 = vector.shape_cast %parallel_loop3A_248 : vector<16xf32> to vector<1x1x1x16xf32>
          tpu.vector_store %arg10[%parallel_loop3A_252, %parallel_loop3A_253, %parallel_loop3A_254, %parallel_loop3A_255], %parallel_loop3A_258 {strides = array<i32>} : memref<4x6x4x128xf32, #tpu.memory_space<vmem>>, vector<1x1x1x16xf32>,
          %parallel_loop3A_259 = arith.constant 4 : i32
          %parallel_loop3A_260 = arith.muli %parallel_loop3A_157, %parallel_loop3A_259 : i32
          %parallel_loop3A_261 = arith.constant 0 : i32
          %parallel_loop3A_262 = arith.addi %parallel_loop3A_261, %parallel_loop3A_260 : i32
          %parallel_loop3A_263 = arith.constant 2 : i32
          %parallel_loop3A_264 = arith.addi %parallel_loop3A_262, %parallel_loop3A_263 : i32
          %parallel_loop3A_265 = arith.index_cast %parallel_loop3A_264 : i32 to index
          %parallel_loop3A_266 = arith.index_cast %parallel_loop3A_203 : i32 to index
          %parallel_loop3A_267 = tpu.vector_load %arg8[%parallel_loop3A_265, %parallel_loop3A_266] {strides = array<i32>} : memref<32x768xf32, #tpu.memory_space<vmem>>, vector<1x16xf32>,
          %parallel_loop3A_268 = vector.shape_cast %parallel_loop3A_267 : vector<1x16xf32> to vector<16xf32>
          %parallel_loop3A_269 = arith.constant 27.7128124 : f32
          %parallel_loop3A_270 = vector.broadcast %parallel_loop3A_269 : f32 to vector<16xf32>
          %parallel_loop3A_271 = arith.mulf %parallel_loop3A_268, %parallel_loop3A_270 : vector<16xf32>
          %parallel_loop3A_272 = arith.addf %parallel_loop3A_271, %parallel_loop3A_210 : vector<16xf32>
          %parallel_loop3A_273 = arith.constant 16 : i32
          %parallel_loop3A_274 = arith.muli %parallel_loop3A_201, %parallel_loop3A_273 : i32
          %parallel_loop3A_275 = arith.constant 2 : i32
          %parallel_loop3A_276 = arith.index_cast %parallel_loop3A_157 : i32 to index
          %parallel_loop3A_277 = arith.index_cast %parallel_loop3A_185 : i32 to index
          %parallel_loop3A_278 = arith.index_cast %parallel_loop3A_275 : i32 to index
          %parallel_loop3A_279 = arith.index_cast %parallel_loop3A_274 : i32 to index
          %parallel_loop3A_280 = tpu.vector_load %arg10[%parallel_loop3A_276, %parallel_loop3A_277, %parallel_loop3A_278, %parallel_loop3A_279] {strides = array<i32>} : memref<4x6x4x128xf32, #tpu.memory_space<vmem>>, vector<1x1x1x16xf32>,
          %parallel_loop3A_281 = vector.shape_cast %parallel_loop3A_280 : vector<1x1x1x16xf32> to vector<16xf32>
          %parallel_loop3A_282 = vector.shape_cast %parallel_loop3A_272 : vector<16xf32> to vector<1x1x1x16xf32>
          tpu.vector_store %arg10[%parallel_loop3A_276, %parallel_loop3A_277, %parallel_loop3A_278, %parallel_loop3A_279], %parallel_loop3A_282 {strides = array<i32>} : memref<4x6x4x128xf32, #tpu.memory_space<vmem>>, vector<1x1x1x16xf32>,
          %parallel_loop3A_283 = arith.constant 4 : i32
          %parallel_loop3A_284 = arith.muli %parallel_loop3A_157, %parallel_loop3A_283 : i32
          %parallel_loop3A_285 = arith.constant 0 : i32
          %parallel_loop3A_286 = arith.addi %parallel_loop3A_285, %parallel_loop3A_284 : i32
          %parallel_loop3A_287 = arith.constant 3 : i32
          %parallel_loop3A_288 = arith.addi %parallel_loop3A_286, %parallel_loop3A_287 : i32
          %parallel_loop3A_289 = arith.index_cast %parallel_loop3A_288 : i32 to index
          %parallel_loop3A_290 = arith.index_cast %parallel_loop3A_203 : i32 to index
          %parallel_loop3A_291 = tpu.vector_load %arg8[%parallel_loop3A_289, %parallel_loop3A_290] {strides = array<i32>} : memref<32x768xf32, #tpu.memory_space<vmem>>, vector<1x16xf32>,
          %parallel_loop3A_292 = vector.shape_cast %parallel_loop3A_291 : vector<1x16xf32> to vector<16xf32>
          %parallel_loop3A_293 = arith.constant 27.7128124 : f32
          %parallel_loop3A_294 = vector.broadcast %parallel_loop3A_293 : f32 to vector<16xf32>
          %parallel_loop3A_295 = arith.mulf %parallel_loop3A_292, %parallel_loop3A_294 : vector<16xf32>
          %parallel_loop3A_296 = arith.addf %parallel_loop3A_295, %parallel_loop3A_210 : vector<16xf32>
          %parallel_loop3A_297 = arith.constant 16 : i32
          %parallel_loop3A_298 = arith.muli %parallel_loop3A_201, %parallel_loop3A_297 : i32
          %parallel_loop3A_299 = arith.constant 3 : i32
          %parallel_loop3A_300 = arith.index_cast %parallel_loop3A_157 : i32 to index
          %parallel_loop3A_301 = arith.index_cast %parallel_loop3A_185 : i32 to index
          %parallel_loop3A_302 = arith.index_cast %parallel_loop3A_299 : i32 to index
          %parallel_loop3A_303 = arith.index_cast %parallel_loop3A_298 : i32 to index
          %parallel_loop3A_304 = tpu.vector_load %arg10[%parallel_loop3A_300, %parallel_loop3A_301, %parallel_loop3A_302, %parallel_loop3A_303] {strides = array<i32>} : memref<4x6x4x128xf32, #tpu.memory_space<vmem>>, vector<1x1x1x16xf32>,
          %parallel_loop3A_305 = vector.shape_cast %parallel_loop3A_304 : vector<1x1x1x16xf32> to vector<16xf32>
          %parallel_loop3A_306 = vector.shape_cast %parallel_loop3A_296 : vector<16xf32> to vector<1x1x1x16xf32>
          tpu.vector_store %arg10[%parallel_loop3A_300, %parallel_loop3A_301, %parallel_loop3A_302, %parallel_loop3A_303], %parallel_loop3A_306 {strides = array<i32>} : memref<4x6x4x128xf32, #tpu.memory_space<vmem>>, vector<1x1x1x16xf32>,
        } {sc.loop_unroll_factor = 8 : i64, sc.parallel_access}
      } {sc.loop_unroll_factor = 1 : i64, sc.parallel_access}
      %add3A_61 = arith.addi %mul3A_2, %add3A_56 : i32
      %dma_start3A_62 = arith.constant 0 : i32
      %dma_start3A_63 = arith.constant 0 : i32
      %dma_start3A_64 = arith.constant 0 : i32
      %dma_start3A_65 = tpu.memref_slice %arg5[%add3A_61, %dma_start3A_62, %dma_start3A_63, %dma_start3A_64] : memref<2048x6x4x128xf32, #tpu.memory_space<hbm>> -> memref<4x6x4x128xf32, #tpu.memory_space<hbm>>
      %dma_start3A_66 = arith.constant 0 : i32
      %dma_start3A_67 = arith.constant 0 : i32
      %dma_start3A_68 = arith.constant 0 : i32
      %dma_start3A_69 = tpu.memref_slice %arg5[%add3A_61, %dma_start3A_66, %dma_start3A_67, %dma_start3A_68] : memref<2048x6x4x128xf32, #tpu.memory_space<hbm>> -> memref<4x6x4x128xf32, #tpu.memory_space<hbm>>
      tpu.enqueue_dma source(%arg10 : memref<4x6x4x128xf32, #tpu.memory_space<vmem>>) target(%dma_start3A_69 : memref<4x6x4x128xf32, #tpu.memory_space<hbm>>) target_semaphore(%arg14 : memref<!tpu.dma_semaphore, #tpu.memory_space<semaphore_mem>>)
      %mul3A_70 = arith.constant 8 : i32
      %mul3A_71 = arith.muli %add3A_46, %mul3A_70 : i32
      %add3A_72 = arith.constant 4 : i32
      %add3A_73 = arith.addi %mul3A_71, %add3A_72 : i32
      %gt3A_74 = arith.constant 0 : i32
      %gt3A_75 = arith.cmpi sgt, %add3A_46, %gt3A_74 : i32
      %convert_element_type3A_76 = arith.extui %gt3A_75 : i1 to i32
      %cond3A_77 = arith.constant 0 : i32
      %cond3A_78 = arith.cmpi ne, %convert_element_type3A_76, %cond3A_77 : i32
      scf.if %cond3A_78 {
        %dma_wait3A_157 = arith.constant 0 : i32
        %dma_wait3A_158 = arith.constant 0 : i32
        %dma_wait3A_159 = arith.constant 0 : i32
        %dma_wait3A_160 = arith.constant 0 : i32
        %dma_wait3A_161 = tpu.memref_slice %arg5[%dma_wait3A_157, %dma_wait3A_158, %dma_wait3A_159, %dma_wait3A_160] : memref<2048x6x4x128xf32, #tpu.memory_space<hbm>> -> memref<4x6x4x128xf32, #tpu.memory_space<hbm>>
        %dma_wait3A_162 = arith.constant 0 : i32
        %dma_wait3A_163 = arith.constant 0 : i32
        %dma_wait3A_164 = arith.constant 0 : i32
        %dma_wait3A_165 = arith.constant 0 : i32
        %dma_wait3A_166 = tpu.memref_slice %arg5[%dma_wait3A_162, %dma_wait3A_163, %dma_wait3A_164, %dma_wait3A_165] : memref<2048x6x4x128xf32, #tpu.memory_space<hbm>> -> memref<4x6x4x128xf32, #tpu.memory_space<hbm>>
        tpu.wait_dma2 semaphore(%arg15 : memref<!tpu.dma_semaphore, #tpu.memory_space<semaphore_mem>>) src(%arg11 : memref<4x6x4x128xf32, #tpu.memory_space<vmem>>) dst(%dma_wait3A_166 : memref<4x6x4x128xf32, #tpu.memory_space<hbm>>)
      } else {
      }
      %parallel_loop3A_79 = arith.constant 0 : i32
      %parallel_loop3A_80 = arith.constant 4 : i32
      %parallel_loop3A_81 = arith.constant 1 : i32
      scf.for %parallel_loop3A_157 = %parallel_loop3A_79 to %parallel_loop3A_80 step %parallel_loop3A_81  : i32 {
        %parallel_loop3A_158 = arith.constant 0 : i32
        %parallel_loop3A_159 = arith.constant 48 : i32
        %parallel_loop3A_160 = arith.constant 1 : i32
        scf.for %parallel_loop3A_161 = %parallel_loop3A_158 to %parallel_loop3A_159 step %parallel_loop3A_160  : i32 {
          %parallel_loop3A_162 = arith.constant 8 : i32
          %parallel_loop3A_163 = arith.divsi %parallel_loop3A_161, %parallel_loop3A_162 : i32
          %parallel_loop3A_164 = arith.constant 0 : i32
          %parallel_loop3A_165 = arith.cmpi sgt, %parallel_loop3A_161, %parallel_loop3A_164 : i32
          %parallel_loop3A_166 = arith.extui %parallel_loop3A_165 : i1 to i32
          %parallel_loop3A_167 = arith.constant 0 : i32
          %parallel_loop3A_168 = arith.cmpi slt, %parallel_loop3A_161, %parallel_loop3A_167 : i32
          %parallel_loop3A_169 = arith.extui %parallel_loop3A_168 : i1 to i32
          %parallel_loop3A_170 = arith.subi %parallel_loop3A_166, %parallel_loop3A_169 : i32
          %parallel_loop3A_171 = arith.constant 0 : i32
          %parallel_loop3A_172 = arith.cmpi sgt, %parallel_loop3A_162, %parallel_loop3A_171 : i32
          %parallel_loop3A_173 = arith.extui %parallel_loop3A_172 : i1 to i32
          %parallel_loop3A_174 = arith.constant 0 : i32
          %parallel_loop3A_175 = arith.cmpi slt, %parallel_loop3A_162, %parallel_loop3A_174 : i32
          %parallel_loop3A_176 = arith.extui %parallel_loop3A_175 : i1 to i32
          %parallel_loop3A_177 = arith.subi %parallel_loop3A_173, %parallel_loop3A_176 : i32
          %parallel_loop3A_178 = arith.cmpi ne, %parallel_loop3A_170, %parallel_loop3A_177 : i32
          %parallel_loop3A_179 = arith.remsi %parallel_loop3A_161, %parallel_loop3A_162 : i32
          %parallel_loop3A_180 = arith.constant 0 : i32
          %parallel_loop3A_181 = arith.cmpi ne, %parallel_loop3A_179, %parallel_loop3A_180 : i32
          %parallel_loop3A_182 = arith.andi %parallel_loop3A_178, %parallel_loop3A_181 : i1
          %parallel_loop3A_183 = arith.constant 1 : i32
          %parallel_loop3A_184 = arith.subi %parallel_loop3A_163, %parallel_loop3A_183 : i32
          %parallel_loop3A_185 = arith.select %parallel_loop3A_182, %parallel_loop3A_184, %parallel_loop3A_163 : i32
          %parallel_loop3A_186 = arith.constant 8 : i32
          %parallel_loop3A_187 = arith.constant 0 : i32
          %parallel_loop3A_188 = arith.cmpi eq, %parallel_loop3A_186, %parallel_loop3A_187 : i32
          %parallel_loop3A_189 = arith.constant 1 : i32
          %parallel_loop3A_190 = arith.select %parallel_loop3A_188, %parallel_loop3A_189, %parallel_loop3A_186 : i32
          %parallel_loop3A_191 = arith.remsi %parallel_loop3A_161, %parallel_loop3A_190 : i32
          %parallel_loop3A_192 = arith.constant 0 : i32
          %parallel_loop3A_193 = arith.cmpi ne, %parallel_loop3A_191, %parallel_loop3A_192 : i32
          %parallel_loop3A_194 = arith.constant 0 : i32
          %parallel_loop3A_195 = arith.cmpi slt, %parallel_loop3A_191, %parallel_loop3A_194 : i32
          %parallel_loop3A_196 = arith.constant 0 : i32
          %parallel_loop3A_197 = arith.cmpi slt, %parallel_loop3A_190, %parallel_loop3A_196 : i32
          %parallel_loop3A_198 = arith.xori %parallel_loop3A_195, %parallel_loop3A_197 : i1
          %parallel_loop3A_199 = arith.andi %parallel_loop3A_198, %parallel_loop3A_193 : i1
          %parallel_loop3A_200 = arith.addi %parallel_loop3A_191, %parallel_loop3A_190 : i32
          %parallel_loop3A_201 = arith.select %parallel_loop3A_199, %parallel_loop3A_200, %parallel_loop3A_191 : i32
          %parallel_loop3A_202 = arith.constant 16 : i32
          %parallel_loop3A_203 = arith.muli %parallel_loop3A_161, %parallel_loop3A_202 : i32
          %parallel_loop3A_204 = arith.addi %add3A_73, %parallel_loop3A_157 : i32
          %parallel_loop3A_205 = arith.constant 0 : i32
          %parallel_loop3A_206 = arith.index_cast %parallel_loop3A_204 : i32 to index
          %parallel_loop3A_207 = arith.index_cast %parallel_loop3A_205 : i32 to index
          %parallel_loop3A_208 = arith.index_cast %parallel_loop3A_203 : i32 to index
          %parallel_loop3A_209 = tpu.vector_load %arg7[%parallel_loop3A_206, %parallel_loop3A_207, %parallel_loop3A_208] {strides = array<i32>} : memref<64x1x768xf32, #tpu.memory_space<vmem>>, vector<1x1x16xf32>,
          %parallel_loop3A_210 = vector.shape_cast %parallel_loop3A_209 : vector<1x1x16xf32> to vector<16xf32>
          %parallel_loop3A_211 = arith.constant 4 : i32
          %parallel_loop3A_212 = arith.muli %parallel_loop3A_157, %parallel_loop3A_211 : i32
          %parallel_loop3A_213 = arith.constant 16 : i32
          %parallel_loop3A_214 = arith.addi %parallel_loop3A_213, %parallel_loop3A_212 : i32
          %parallel_loop3A_215 = arith.constant 0 : i32
          %parallel_loop3A_216 = arith.addi %parallel_loop3A_214, %parallel_loop3A_215 : i32
          %parallel_loop3A_217 = arith.index_cast %parallel_loop3A_216 : i32 to index
          %parallel_loop3A_218 = arith.index_cast %parallel_loop3A_203 : i32 to index
          %parallel_loop3A_219 = tpu.vector_load %arg8[%parallel_loop3A_217, %parallel_loop3A_218] {strides = array<i32>} : memref<32x768xf32, #tpu.memory_space<vmem>>, vector<1x16xf32>,
          %parallel_loop3A_220 = vector.shape_cast %parallel_loop3A_219 : vector<1x16xf32> to vector<16xf32>
          %parallel_loop3A_221 = arith.constant 27.7128124 : f32
          %parallel_loop3A_222 = vector.broadcast %parallel_loop3A_221 : f32 to vector<16xf32>
          %parallel_loop3A_223 = arith.mulf %parallel_loop3A_220, %parallel_loop3A_222 : vector<16xf32>
          %parallel_loop3A_224 = arith.addf %parallel_loop3A_223, %parallel_loop3A_210 : vector<16xf32>
          %parallel_loop3A_225 = arith.constant 16 : i32
          %parallel_loop3A_226 = arith.muli %parallel_loop3A_201, %parallel_loop3A_225 : i32
          %parallel_loop3A_227 = arith.constant 0 : i32
          %parallel_loop3A_228 = arith.index_cast %parallel_loop3A_157 : i32 to index
          %parallel_loop3A_229 = arith.index_cast %parallel_loop3A_185 : i32 to index
          %parallel_loop3A_230 = arith.index_cast %parallel_loop3A_227 : i32 to index
          %parallel_loop3A_231 = arith.index_cast %parallel_loop3A_226 : i32 to index
          %parallel_loop3A_232 = tpu.vector_load %arg11[%parallel_loop3A_228, %parallel_loop3A_229, %parallel_loop3A_230, %parallel_loop3A_231] {strides = array<i32>} : memref<4x6x4x128xf32, #tpu.memory_space<vmem>>, vector<1x1x1x16xf32>,
          %parallel_loop3A_233 = vector.shape_cast %parallel_loop3A_232 : vector<1x1x1x16xf32> to vector<16xf32>
          %parallel_loop3A_234 = vector.shape_cast %parallel_loop3A_224 : vector<16xf32> to vector<1x1x1x16xf32>
          tpu.vector_store %arg11[%parallel_loop3A_228, %parallel_loop3A_229, %parallel_loop3A_230, %parallel_loop3A_231], %parallel_loop3A_234 {strides = array<i32>} : memref<4x6x4x128xf32, #tpu.memory_space<vmem>>, vector<1x1x1x16xf32>,
          %parallel_loop3A_235 = arith.constant 4 : i32
          %parallel_loop3A_236 = arith.muli %parallel_loop3A_157, %parallel_loop3A_235 : i32
          %parallel_loop3A_237 = arith.constant 16 : i32
          %parallel_loop3A_238 = arith.addi %parallel_loop3A_237, %parallel_loop3A_236 : i32
          %parallel_loop3A_239 = arith.constant 1 : i32
          %parallel_loop3A_240 = arith.addi %parallel_loop3A_238, %parallel_loop3A_239 : i32
          %parallel_loop3A_241 = arith.index_cast %parallel_loop3A_240 : i32 to index
          %parallel_loop3A_242 = arith.index_cast %parallel_loop3A_203 : i32 to index
          %parallel_loop3A_243 = tpu.vector_load %arg8[%parallel_loop3A_241, %parallel_loop3A_242] {strides = array<i32>} : memref<32x768xf32, #tpu.memory_space<vmem>>, vector<1x16xf32>,
          %parallel_loop3A_244 = vector.shape_cast %parallel_loop3A_243 : vector<1x16xf32> to vector<16xf32>
          %parallel_loop3A_245 = arith.constant 27.7128124 : f32
          %parallel_loop3A_246 = vector.broadcast %parallel_loop3A_245 : f32 to vector<16xf32>
          %parallel_loop3A_247 = arith.mulf %parallel_loop3A_244, %parallel_loop3A_246 : vector<16xf32>
          %parallel_loop3A_248 = arith.addf %parallel_loop3A_247, %parallel_loop3A_210 : vector<16xf32>
          %parallel_loop3A_249 = arith.constant 16 : i32
          %parallel_loop3A_250 = arith.muli %parallel_loop3A_201, %parallel_loop3A_249 : i32
          %parallel_loop3A_251 = arith.constant 1 : i32
          %parallel_loop3A_252 = arith.index_cast %parallel_loop3A_157 : i32 to index
          %parallel_loop3A_253 = arith.index_cast %parallel_loop3A_185 : i32 to index
          %parallel_loop3A_254 = arith.index_cast %parallel_loop3A_251 : i32 to index
          %parallel_loop3A_255 = arith.index_cast %parallel_loop3A_250 : i32 to index
          %parallel_loop3A_256 = tpu.vector_load %arg11[%parallel_loop3A_252, %parallel_loop3A_253, %parallel_loop3A_254, %parallel_loop3A_255] {strides = array<i32>} : memref<4x6x4x128xf32, #tpu.memory_space<vmem>>, vector<1x1x1x16xf32>,
          %parallel_loop3A_257 = vector.shape_cast %parallel_loop3A_256 : vector<1x1x1x16xf32> to vector<16xf32>
          %parallel_loop3A_258 = vector.shape_cast %parallel_loop3A_248 : vector<16xf32> to vector<1x1x1x16xf32>
          tpu.vector_store %arg11[%parallel_loop3A_252, %parallel_loop3A_253, %parallel_loop3A_254, %parallel_loop3A_255], %parallel_loop3A_258 {strides = array<i32>} : memref<4x6x4x128xf32, #tpu.memory_space<vmem>>, vector<1x1x1x16xf32>,
          %parallel_loop3A_259 = arith.constant 4 : i32
          %parallel_loop3A_260 = arith.muli %parallel_loop3A_157, %parallel_loop3A_259 : i32
          %parallel_loop3A_261 = arith.constant 16 : i32
          %parallel_loop3A_262 = arith.addi %parallel_loop3A_261, %parallel_loop3A_260 : i32
          %parallel_loop3A_263 = arith.constant 2 : i32
          %parallel_loop3A_264 = arith.addi %parallel_loop3A_262, %parallel_loop3A_263 : i32
          %parallel_loop3A_265 = arith.index_cast %parallel_loop3A_264 : i32 to index
          %parallel_loop3A_266 = arith.index_cast %parallel_loop3A_203 : i32 to index
          %parallel_loop3A_267 = tpu.vector_load %arg8[%parallel_loop3A_265, %parallel_loop3A_266] {strides = array<i32>} : memref<32x768xf32, #tpu.memory_space<vmem>>, vector<1x16xf32>,
          %parallel_loop3A_268 = vector.shape_cast %parallel_loop3A_267 : vector<1x16xf32> to vector<16xf32>
          %parallel_loop3A_269 = arith.constant 27.7128124 : f32
          %parallel_loop3A_270 = vector.broadcast %parallel_loop3A_269 : f32 to vector<16xf32>
          %parallel_loop3A_271 = arith.mulf %parallel_loop3A_268, %parallel_loop3A_270 : vector<16xf32>
          %parallel_loop3A_272 = arith.addf %parallel_loop3A_271, %parallel_loop3A_210 : vector<16xf32>
          %parallel_loop3A_273 = arith.constant 16 : i32
          %parallel_loop3A_274 = arith.muli %parallel_loop3A_201, %parallel_loop3A_273 : i32
          %parallel_loop3A_275 = arith.constant 2 : i32
          %parallel_loop3A_276 = arith.index_cast %parallel_loop3A_157 : i32 to index
          %parallel_loop3A_277 = arith.index_cast %parallel_loop3A_185 : i32 to index
          %parallel_loop3A_278 = arith.index_cast %parallel_loop3A_275 : i32 to index
          %parallel_loop3A_279 = arith.index_cast %parallel_loop3A_274 : i32 to index
          %parallel_loop3A_280 = tpu.vector_load %arg11[%parallel_loop3A_276, %parallel_loop3A_277, %parallel_loop3A_278, %parallel_loop3A_279] {strides = array<i32>} : memref<4x6x4x128xf32, #tpu.memory_space<vmem>>, vector<1x1x1x16xf32>,
          %parallel_loop3A_281 = vector.shape_cast %parallel_loop3A_280 : vector<1x1x1x16xf32> to vector<16xf32>
          %parallel_loop3A_282 = vector.shape_cast %parallel_loop3A_272 : vector<16xf32> to vector<1x1x1x16xf32>
          tpu.vector_store %arg11[%parallel_loop3A_276, %parallel_loop3A_277, %parallel_loop3A_278, %parallel_loop3A_279], %parallel_loop3A_282 {strides = array<i32>} : memref<4x6x4x128xf32, #tpu.memory_space<vmem>>, vector<1x1x1x16xf32>,
          %parallel_loop3A_283 = arith.constant 4 : i32
          %parallel_loop3A_284 = arith.muli %parallel_loop3A_157, %parallel_loop3A_283 : i32
          %parallel_loop3A_285 = arith.constant 16 : i32
          %parallel_loop3A_286 = arith.addi %parallel_loop3A_285, %parallel_loop3A_284 : i32
          %parallel_loop3A_287 = arith.constant 3 : i32
          %parallel_loop3A_288 = arith.addi %parallel_loop3A_286, %parallel_loop3A_287 : i32
          %parallel_loop3A_289 = arith.index_cast %parallel_loop3A_288 : i32 to index
          %parallel_loop3A_290 = arith.index_cast %parallel_loop3A_203 : i32 to index
          %parallel_loop3A_291 = tpu.vector_load %arg8[%parallel_loop3A_289, %parallel_loop3A_290] {strides = array<i32>} : memref<32x768xf32, #tpu.memory_space<vmem>>, vector<1x16xf32>,
          %parallel_loop3A_292 = vector.shape_cast %parallel_loop3A_291 : vector<1x16xf32> to vector<16xf32>
          %parallel_loop3A_293 = arith.constant 27.7128124 : f32
          %parallel_loop3A_294 = vector.broadcast %parallel_loop3A_293 : f32 to vector<16xf32>
          %parallel_loop3A_295 = arith.mulf %parallel_loop3A_292, %parallel_loop3A_294 : vector<16xf32>
          %parallel_loop3A_296 = arith.addf %parallel_loop3A_295, %parallel_loop3A_210 : vector<16xf32>
          %parallel_loop3A_297 = arith.constant 16 : i32
          %parallel_loop3A_298 = arith.muli %parallel_loop3A_201, %parallel_loop3A_297 : i32
          %parallel_loop3A_299 = arith.constant 3 : i32
          %parallel_loop3A_300 = arith.index_cast %parallel_loop3A_157 : i32 to index
          %parallel_loop3A_301 = arith.index_cast %parallel_loop3A_185 : i32 to index
          %parallel_loop3A_302 = arith.index_cast %parallel_loop3A_299 : i32 to index
          %parallel_loop3A_303 = arith.index_cast %parallel_loop3A_298 : i32 to index
          %parallel_loop3A_304 = tpu.vector_load %arg11[%parallel_loop3A_300, %parallel_loop3A_301, %parallel_loop3A_302, %parallel_loop3A_303] {strides = array<i32>} : memref<4x6x4x128xf32, #tpu.memory_space<vmem>>, vector<1x1x1x16xf32>,
          %parallel_loop3A_305 = vector.shape_cast %parallel_loop3A_304 : vector<1x1x1x16xf32> to vector<16xf32>
          %parallel_loop3A_306 = vector.shape_cast %parallel_loop3A_296 : vector<16xf32> to vector<1x1x1x16xf32>
          tpu.vector_store %arg11[%parallel_loop3A_300, %parallel_loop3A_301, %parallel_loop3A_302, %parallel_loop3A_303], %parallel_loop3A_306 {strides = array<i32>} : memref<4x6x4x128xf32, #tpu.memory_space<vmem>>, vector<1x1x1x16xf32>,
        } {sc.loop_unroll_factor = 8 : i64, sc.parallel_access}
      } {sc.loop_unroll_factor = 1 : i64, sc.parallel_access}
      %add3A_82 = arith.addi %mul3A_2, %add3A_73 : i32
      %dma_start3A_83 = arith.constant 0 : i32
      %dma_start3A_84 = arith.constant 0 : i32
      %dma_start3A_85 = arith.constant 0 : i32
      %dma_start3A_86 = tpu.memref_slice %arg5[%add3A_82, %dma_start3A_83, %dma_start3A_84, %dma_start3A_85] : memref<2048x6x4x128xf32, #tpu.memory_space<hbm>> -> memref<4x6x4x128xf32, #tpu.memory_space<hbm>>
      %dma_start3A_87 = arith.constant 0 : i32
      %dma_start3A_88 = arith.constant 0 : i32
      %dma_start3A_89 = arith.constant 0 : i32
      %dma_start3A_90 = tpu.memref_slice %arg5[%add3A_82, %dma_start3A_87, %dma_start3A_88, %dma_start3A_89] : memref<2048x6x4x128xf32, #tpu.memory_space<hbm>> -> memref<4x6x4x128xf32, #tpu.memory_space<hbm>>
      tpu.enqueue_dma source(%arg11 : memref<4x6x4x128xf32, #tpu.memory_space<vmem>>) target(%dma_start3A_90 : memref<4x6x4x128xf32, #tpu.memory_space<hbm>>) target_semaphore(%arg15 : memref<!tpu.dma_semaphore, #tpu.memory_space<semaphore_mem>>)
      %add3A_91 = arith.constant 2 : i32
      %add3A_92 = arith.addi %add3A_46, %add3A_91 : i32
      %lt3A = arith.constant 8 : i32
      %lt3A_93 = arith.cmpi slt, %add3A_92, %lt3A : i32
      %convert_element_type3A_94 = arith.extui %lt3A_93 : i1 to i32
      %cond3A_95 = arith.constant 0 : i32
      %cond3A_96 = arith.cmpi ne, %convert_element_type3A_94, %cond3A_95 : i32
      scf.if %cond3A_96 {
        %add3A_157 = arith.constant 2 : i32
        %add3A_158 = arith.addi %add3A_46, %add3A_157 : i32
        %dma_start3A_159 = arith.constant 0 : i32
        %dma_start3A_160 = tpu.memref_slice %arg6[%add3A_158, %dma_start3A_159] : memref<8x32xi32, #tpu.memory_space<vmem>> -> memref<1x32xi32, #tpu.memory_space<vmem>>
        %dma_start3A_161 = tpu.memref_squeeze %dma_start3A_160 : memref<1x32xi32, #tpu.memory_space<vmem>> -> memref<32xi32, #tpu.memory_space<vmem>>
        %dma_start3A_162 = arith.constant 0 : i32
        %dma_start3A_163 = arith.constant 0 : i32
        %dma_start3A_164 = tpu.memref_slice %arg4[%dma_start3A_162, %dma_start3A_163] : memref<100000x768xf32, #tpu.memory_space<hbm>> -> memref<100000x768xf32, #tpu.memory_space<hbm>>
        tpu.enqueue_indirect_dma source(%dma_start3A_164 : memref<100000x768xf32, #tpu.memory_space<hbm>>) target(%arg8 : memref<32x768xf32, #tpu.memory_space<vmem>>) offsets(%dma_start3A_161 : memref<32xi32, #tpu.memory_space<vmem>>) semaphore(%arg12 : memref<!tpu.dma_semaphore, #tpu.memory_space<semaphore_mem>>)
      } else {
      }
      %mul3A_97 = arith.constant 2 : i32
      %mul3A_98 = arith.muli %mul3A_97, %scan3A_41 : i32
      %add3A_99 = arith.constant 1 : i32
      %add3A_100 = arith.addi %mul3A_98, %add3A_99 : i32
      %dma_wait3A_101 = arith.constant 0 : i32
      %dma_wait3A_102 = tpu.memref_slice %arg6[%add3A_100, %dma_wait3A_101] : memref<8x32xi32, #tpu.memory_space<vmem>> -> memref<1x32xi32, #tpu.memory_space<vmem>>
      %dma_wait3A_103 = tpu.memref_squeeze %dma_wait3A_102 : memref<1x32xi32, #tpu.memory_space<vmem>> -> memref<32xi32, #tpu.memory_space<vmem>>
      %dma_wait3A_104 = arith.constant 0 : i32
      %dma_wait3A_105 = arith.constant 0 : i32
      %dma_wait3A_106 = tpu.memref_slice %arg4[%dma_wait3A_104, %dma_wait3A_105] : memref<100000x768xf32, #tpu.memory_space<hbm>> -> memref<100000x768xf32, #tpu.memory_space<hbm>>
      tpu.wait_indirect_dma semaphore(%arg13 : memref<!tpu.dma_semaphore, #tpu.memory_space<semaphore_mem>>) src(%dma_wait3A_106 : memref<100000x768xf32, #tpu.memory_space<hbm>>) dst(%arg9 : memref<32x768xf32, #tpu.memory_space<vmem>>)
      %mul3A_107 = arith.constant 8 : i32
      %mul3A_108 = arith.muli %add3A_100, %mul3A_107 : i32
      %add3A_109 = arith.constant 0 : i32
      %add3A_110 = arith.addi %mul3A_108, %add3A_109 : i32
      %gt3A_111 = arith.constant 0 : i32
      %gt3A_112 = arith.cmpi sgt, %add3A_100, %gt3A_111 : i32
      %convert_element_type3A_113 = arith.extui %gt3A_112 : i1 to i32
      %cond3A_114 = arith.constant 0 : i32
      %cond3A_115 = arith.cmpi ne, %convert_element_type3A_113, %cond3A_114 : i32
      scf.if %cond3A_115 {
        %dma_wait3A_157 = arith.constant 0 : i32
        %dma_wait3A_158 = arith.constant 0 : i32
        %dma_wait3A_159 = arith.constant 0 : i32
        %dma_wait3A_160 = arith.constant 0 : i32
        %dma_wait3A_161 = tpu.memref_slice %arg5[%dma_wait3A_157, %dma_wait3A_158, %dma_wait3A_159, %dma_wait3A_160] : memref<2048x6x4x128xf32, #tpu.memory_space<hbm>> -> memref<4x6x4x128xf32, #tpu.memory_space<hbm>>
        %dma_wait3A_162 = arith.constant 0 : i32
        %dma_wait3A_163 = arith.constant 0 : i32
        %dma_wait3A_164 = arith.constant 0 : i32
        %dma_wait3A_165 = arith.constant 0 : i32
        %dma_wait3A_166 = tpu.memref_slice %arg5[%dma_wait3A_162, %dma_wait3A_163, %dma_wait3A_164, %dma_wait3A_165] : memref<2048x6x4x128xf32, #tpu.memory_space<hbm>> -> memref<4x6x4x128xf32, #tpu.memory_space<hbm>>
        tpu.wait_dma2 semaphore(%arg14 : memref<!tpu.dma_semaphore, #tpu.memory_space<semaphore_mem>>) src(%arg10 : memref<4x6x4x128xf32, #tpu.memory_space<vmem>>) dst(%dma_wait3A_166 : memref<4x6x4x128xf32, #tpu.memory_space<hbm>>)
      } else {
      }
      %parallel_loop3A_116 = arith.constant 0 : i32
      %parallel_loop3A_117 = arith.constant 4 : i32
      %parallel_loop3A_118 = arith.constant 1 : i32
      scf.for %parallel_loop3A_157 = %parallel_loop3A_116 to %parallel_loop3A_117 step %parallel_loop3A_118  : i32 {
        %parallel_loop3A_158 = arith.constant 0 : i32
        %parallel_loop3A_159 = arith.constant 48 : i32
        %parallel_loop3A_160 = arith.constant 1 : i32
        scf.for %parallel_loop3A_161 = %parallel_loop3A_158 to %parallel_loop3A_159 step %parallel_loop3A_160  : i32 {
          %parallel_loop3A_162 = arith.constant 8 : i32
          %parallel_loop3A_163 = arith.divsi %parallel_loop3A_161, %parallel_loop3A_162 : i32
          %parallel_loop3A_164 = arith.constant 0 : i32
          %parallel_loop3A_165 = arith.cmpi sgt, %parallel_loop3A_161, %parallel_loop3A_164 : i32
          %parallel_loop3A_166 = arith.extui %parallel_loop3A_165 : i1 to i32
          %parallel_loop3A_167 = arith.constant 0 : i32
          %parallel_loop3A_168 = arith.cmpi slt, %parallel_loop3A_161, %parallel_loop3A_167 : i32
          %parallel_loop3A_169 = arith.extui %parallel_loop3A_168 : i1 to i32
          %parallel_loop3A_170 = arith.subi %parallel_loop3A_166, %parallel_loop3A_169 : i32
          %parallel_loop3A_171 = arith.constant 0 : i32
          %parallel_loop3A_172 = arith.cmpi sgt, %parallel_loop3A_162, %parallel_loop3A_171 : i32
          %parallel_loop3A_173 = arith.extui %parallel_loop3A_172 : i1 to i32
          %parallel_loop3A_174 = arith.constant 0 : i32
          %parallel_loop3A_175 = arith.cmpi slt, %parallel_loop3A_162, %parallel_loop3A_174 : i32
          %parallel_loop3A_176 = arith.extui %parallel_loop3A_175 : i1 to i32
          %parallel_loop3A_177 = arith.subi %parallel_loop3A_173, %parallel_loop3A_176 : i32
          %parallel_loop3A_178 = arith.cmpi ne, %parallel_loop3A_170, %parallel_loop3A_177 : i32
          %parallel_loop3A_179 = arith.remsi %parallel_loop3A_161, %parallel_loop3A_162 : i32
          %parallel_loop3A_180 = arith.constant 0 : i32
          %parallel_loop3A_181 = arith.cmpi ne, %parallel_loop3A_179, %parallel_loop3A_180 : i32
          %parallel_loop3A_182 = arith.andi %parallel_loop3A_178, %parallel_loop3A_181 : i1
          %parallel_loop3A_183 = arith.constant 1 : i32
          %parallel_loop3A_184 = arith.subi %parallel_loop3A_163, %parallel_loop3A_183 : i32
          %parallel_loop3A_185 = arith.select %parallel_loop3A_182, %parallel_loop3A_184, %parallel_loop3A_163 : i32
          %parallel_loop3A_186 = arith.constant 8 : i32
          %parallel_loop3A_187 = arith.constant 0 : i32
          %parallel_loop3A_188 = arith.cmpi eq, %parallel_loop3A_186, %parallel_loop3A_187 : i32
          %parallel_loop3A_189 = arith.constant 1 : i32
          %parallel_loop3A_190 = arith.select %parallel_loop3A_188, %parallel_loop3A_189, %parallel_loop3A_186 : i32
          %parallel_loop3A_191 = arith.remsi %parallel_loop3A_161, %parallel_loop3A_190 : i32
          %parallel_loop3A_192 = arith.constant 0 : i32
          %parallel_loop3A_193 = arith.cmpi ne, %parallel_loop3A_191, %parallel_loop3A_192 : i32
          %parallel_loop3A_194 = arith.constant 0 : i32
          %parallel_loop3A_195 = arith.cmpi slt, %parallel_loop3A_191, %parallel_loop3A_194 : i32
          %parallel_loop3A_196 = arith.constant 0 : i32
          %parallel_loop3A_197 = arith.cmpi slt, %parallel_loop3A_190, %parallel_loop3A_196 : i32
          %parallel_loop3A_198 = arith.xori %parallel_loop3A_195, %parallel_loop3A_197 : i1
          %parallel_loop3A_199 = arith.andi %parallel_loop3A_198, %parallel_loop3A_193 : i1
          %parallel_loop3A_200 = arith.addi %parallel_loop3A_191, %parallel_loop3A_190 : i32
          %parallel_loop3A_201 = arith.select %parallel_loop3A_199, %parallel_loop3A_200, %parallel_loop3A_191 : i32
          %parallel_loop3A_202 = arith.constant 16 : i32
          %parallel_loop3A_203 = arith.muli %parallel_loop3A_161, %parallel_loop3A_202 : i32
          %parallel_loop3A_204 = arith.addi %add3A_110, %parallel_loop3A_157 : i32
          %parallel_loop3A_205 = arith.constant 0 : i32
          %parallel_loop3A_206 = arith.index_cast %parallel_loop3A_204 : i32 to index
          %parallel_loop3A_207 = arith.index_cast %parallel_loop3A_205 : i32 to index
          %parallel_loop3A_208 = arith.index_cast %parallel_loop3A_203 : i32 to index
          %parallel_loop3A_209 = tpu.vector_load %arg7[%parallel_loop3A_206, %parallel_loop3A_207, %parallel_loop3A_208] {strides = array<i32>} : memref<64x1x768xf32, #tpu.memory_space<vmem>>, vector<1x1x16xf32>,
          %parallel_loop3A_210 = vector.shape_cast %parallel_loop3A_209 : vector<1x1x16xf32> to vector<16xf32>
          %parallel_loop3A_211 = arith.constant 4 : i32
          %parallel_loop3A_212 = arith.muli %parallel_loop3A_157, %parallel_loop3A_211 : i32
          %parallel_loop3A_213 = arith.constant 0 : i32
          %parallel_loop3A_214 = arith.addi %parallel_loop3A_213, %parallel_loop3A_212 : i32
          %parallel_loop3A_215 = arith.constant 0 : i32
          %parallel_loop3A_216 = arith.addi %parallel_loop3A_214, %parallel_loop3A_215 : i32
          %parallel_loop3A_217 = arith.index_cast %parallel_loop3A_216 : i32 to index
          %parallel_loop3A_218 = arith.index_cast %parallel_loop3A_203 : i32 to index
          %parallel_loop3A_219 = tpu.vector_load %arg9[%parallel_loop3A_217, %parallel_loop3A_218] {strides = array<i32>} : memref<32x768xf32, #tpu.memory_space<vmem>>, vector<1x16xf32>,
          %parallel_loop3A_220 = vector.shape_cast %parallel_loop3A_219 : vector<1x16xf32> to vector<16xf32>
          %parallel_loop3A_221 = arith.constant 27.7128124 : f32
          %parallel_loop3A_222 = vector.broadcast %parallel_loop3A_221 : f32 to vector<16xf32>
          %parallel_loop3A_223 = arith.mulf %parallel_loop3A_220, %parallel_loop3A_222 : vector<16xf32>
          %parallel_loop3A_224 = arith.addf %parallel_loop3A_223, %parallel_loop3A_210 : vector<16xf32>
          %parallel_loop3A_225 = arith.constant 16 : i32
          %parallel_loop3A_226 = arith.muli %parallel_loop3A_201, %parallel_loop3A_225 : i32
          %parallel_loop3A_227 = arith.constant 0 : i32
          %parallel_loop3A_228 = arith.index_cast %parallel_loop3A_157 : i32 to index
          %parallel_loop3A_229 = arith.index_cast %parallel_loop3A_185 : i32 to index
          %parallel_loop3A_230 = arith.index_cast %parallel_loop3A_227 : i32 to index
          %parallel_loop3A_231 = arith.index_cast %parallel_loop3A_226 : i32 to index
          %parallel_loop3A_232 = tpu.vector_load %arg10[%parallel_loop3A_228, %parallel_loop3A_229, %parallel_loop3A_230, %parallel_loop3A_231] {strides = array<i32>} : memref<4x6x4x128xf32, #tpu.memory_space<vmem>>, vector<1x1x1x16xf32>,
          %parallel_loop3A_233 = vector.shape_cast %parallel_loop3A_232 : vector<1x1x1x16xf32> to vector<16xf32>
          %parallel_loop3A_234 = vector.shape_cast %parallel_loop3A_224 : vector<16xf32> to vector<1x1x1x16xf32>
          tpu.vector_store %arg10[%parallel_loop3A_228, %parallel_loop3A_229, %parallel_loop3A_230, %parallel_loop3A_231], %parallel_loop3A_234 {strides = array<i32>} : memref<4x6x4x128xf32, #tpu.memory_space<vmem>>, vector<1x1x1x16xf32>,
          %parallel_loop3A_235 = arith.constant 4 : i32
          %parallel_loop3A_236 = arith.muli %parallel_loop3A_157, %parallel_loop3A_235 : i32
          %parallel_loop3A_237 = arith.constant 0 : i32
          %parallel_loop3A_238 = arith.addi %parallel_loop3A_237, %parallel_loop3A_236 : i32
          %parallel_loop3A_239 = arith.constant 1 : i32
          %parallel_loop3A_240 = arith.addi %parallel_loop3A_238, %parallel_loop3A_239 : i32
          %parallel_loop3A_241 = arith.index_cast %parallel_loop3A_240 : i32 to index
          %parallel_loop3A_242 = arith.index_cast %parallel_loop3A_203 : i32 to index
          %parallel_loop3A_243 = tpu.vector_load %arg9[%parallel_loop3A_241, %parallel_loop3A_242] {strides = array<i32>} : memref<32x768xf32, #tpu.memory_space<vmem>>, vector<1x16xf32>,
          %parallel_loop3A_244 = vector.shape_cast %parallel_loop3A_243 : vector<1x16xf32> to vector<16xf32>
          %parallel_loop3A_245 = arith.constant 27.7128124 : f32
          %parallel_loop3A_246 = vector.broadcast %parallel_loop3A_245 : f32 to vector<16xf32>
          %parallel_loop3A_247 = arith.mulf %parallel_loop3A_244, %parallel_loop3A_246 : vector<16xf32>
          %parallel_loop3A_248 = arith.addf %parallel_loop3A_247, %parallel_loop3A_210 : vector<16xf32>
          %parallel_loop3A_249 = arith.constant 16 : i32
          %parallel_loop3A_250 = arith.muli %parallel_loop3A_201, %parallel_loop3A_249 : i32
          %parallel_loop3A_251 = arith.constant 1 : i32
          %parallel_loop3A_252 = arith.index_cast %parallel_loop3A_157 : i32 to index
          %parallel_loop3A_253 = arith.index_cast %parallel_loop3A_185 : i32 to index
          %parallel_loop3A_254 = arith.index_cast %parallel_loop3A_251 : i32 to index
          %parallel_loop3A_255 = arith.index_cast %parallel_loop3A_250 : i32 to index
          %parallel_loop3A_256 = tpu.vector_load %arg10[%parallel_loop3A_252, %parallel_loop3A_253, %parallel_loop3A_254, %parallel_loop3A_255] {strides = array<i32>} : memref<4x6x4x128xf32, #tpu.memory_space<vmem>>, vector<1x1x1x16xf32>,
          %parallel_loop3A_257 = vector.shape_cast %parallel_loop3A_256 : vector<1x1x1x16xf32> to vector<16xf32>
          %parallel_loop3A_258 = vector.shape_cast %parallel_loop3A_248 : vector<16xf32> to vector<1x1x1x16xf32>
          tpu.vector_store %arg10[%parallel_loop3A_252, %parallel_loop3A_253, %parallel_loop3A_254, %parallel_loop3A_255], %parallel_loop3A_258 {strides = array<i32>} : memref<4x6x4x128xf32, #tpu.memory_space<vmem>>, vector<1x1x1x16xf32>,
          %parallel_loop3A_259 = arith.constant 4 : i32
          %parallel_loop3A_260 = arith.muli %parallel_loop3A_157, %parallel_loop3A_259 : i32
          %parallel_loop3A_261 = arith.constant 0 : i32
          %parallel_loop3A_262 = arith.addi %parallel_loop3A_261, %parallel_loop3A_260 : i32
          %parallel_loop3A_263 = arith.constant 2 : i32
          %parallel_loop3A_264 = arith.addi %parallel_loop3A_262, %parallel_loop3A_263 : i32
          %parallel_loop3A_265 = arith.index_cast %parallel_loop3A_264 : i32 to index
          %parallel_loop3A_266 = arith.index_cast %parallel_loop3A_203 : i32 to index
          %parallel_loop3A_267 = tpu.vector_load %arg9[%parallel_loop3A_265, %parallel_loop3A_266] {strides = array<i32>} : memref<32x768xf32, #tpu.memory_space<vmem>>, vector<1x16xf32>,
          %parallel_loop3A_268 = vector.shape_cast %parallel_loop3A_267 : vector<1x16xf32> to vector<16xf32>
          %parallel_loop3A_269 = arith.constant 27.7128124 : f32
          %parallel_loop3A_270 = vector.broadcast %parallel_loop3A_269 : f32 to vector<16xf32>
          %parallel_loop3A_271 = arith.mulf %parallel_loop3A_268, %parallel_loop3A_270 : vector<16xf32>
          %parallel_loop3A_272 = arith.addf %parallel_loop3A_271, %parallel_loop3A_210 : vector<16xf32>
          %parallel_loop3A_273 = arith.constant 16 : i32
          %parallel_loop3A_274 = arith.muli %parallel_loop3A_201, %parallel_loop3A_273 : i32
          %parallel_loop3A_275 = arith.constant 2 : i32
          %parallel_loop3A_276 = arith.index_cast %parallel_loop3A_157 : i32 to index
          %parallel_loop3A_277 = arith.index_cast %parallel_loop3A_185 : i32 to index
          %parallel_loop3A_278 = arith.index_cast %parallel_loop3A_275 : i32 to index
          %parallel_loop3A_279 = arith.index_cast %parallel_loop3A_274 : i32 to index
          %parallel_loop3A_280 = tpu.vector_load %arg10[%parallel_loop3A_276, %parallel_loop3A_277, %parallel_loop3A_278, %parallel_loop3A_279] {strides = array<i32>} : memref<4x6x4x128xf32, #tpu.memory_space<vmem>>, vector<1x1x1x16xf32>,
          %parallel_loop3A_281 = vector.shape_cast %parallel_loop3A_280 : vector<1x1x1x16xf32> to vector<16xf32>
          %parallel_loop3A_282 = vector.shape_cast %parallel_loop3A_272 : vector<16xf32> to vector<1x1x1x16xf32>
          tpu.vector_store %arg10[%parallel_loop3A_276, %parallel_loop3A_277, %parallel_loop3A_278, %parallel_loop3A_279], %parallel_loop3A_282 {strides = array<i32>} : memref<4x6x4x128xf32, #tpu.memory_space<vmem>>, vector<1x1x1x16xf32>,
          %parallel_loop3A_283 = arith.constant 4 : i32
          %parallel_loop3A_284 = arith.muli %parallel_loop3A_157, %parallel_loop3A_283 : i32
          %parallel_loop3A_285 = arith.constant 0 : i32
          %parallel_loop3A_286 = arith.addi %parallel_loop3A_285, %parallel_loop3A_284 : i32
          %parallel_loop3A_287 = arith.constant 3 : i32
          %parallel_loop3A_288 = arith.addi %parallel_loop3A_286, %parallel_loop3A_287 : i32
          %parallel_loop3A_289 = arith.index_cast %parallel_loop3A_288 : i32 to index
          %parallel_loop3A_290 = arith.index_cast %parallel_loop3A_203 : i32 to index
          %parallel_loop3A_291 = tpu.vector_load %arg9[%parallel_loop3A_289, %parallel_loop3A_290] {strides = array<i32>} : memref<32x768xf32, #tpu.memory_space<vmem>>, vector<1x16xf32>,
          %parallel_loop3A_292 = vector.shape_cast %parallel_loop3A_291 : vector<1x16xf32> to vector<16xf32>
          %parallel_loop3A_293 = arith.constant 27.7128124 : f32
          %parallel_loop3A_294 = vector.broadcast %parallel_loop3A_293 : f32 to vector<16xf32>
          %parallel_loop3A_295 = arith.mulf %parallel_loop3A_292, %parallel_loop3A_294 : vector<16xf32>
          %parallel_loop3A_296 = arith.addf %parallel_loop3A_295, %parallel_loop3A_210 : vector<16xf32>
          %parallel_loop3A_297 = arith.constant 16 : i32
          %parallel_loop3A_298 = arith.muli %parallel_loop3A_201, %parallel_loop3A_297 : i32
          %parallel_loop3A_299 = arith.constant 3 : i32
          %parallel_loop3A_300 = arith.index_cast %parallel_loop3A_157 : i32 to index
          %parallel_loop3A_301 = arith.index_cast %parallel_loop3A_185 : i32 to index
          %parallel_loop3A_302 = arith.index_cast %parallel_loop3A_299 : i32 to index
          %parallel_loop3A_303 = arith.index_cast %parallel_loop3A_298 : i32 to index
          %parallel_loop3A_304 = tpu.vector_load %arg10[%parallel_loop3A_300, %parallel_loop3A_301, %parallel_loop3A_302, %parallel_loop3A_303] {strides = array<i32>} : memref<4x6x4x128xf32, #tpu.memory_space<vmem>>, vector<1x1x1x16xf32>,
          %parallel_loop3A_305 = vector.shape_cast %parallel_loop3A_304 : vector<1x1x1x16xf32> to vector<16xf32>
          %parallel_loop3A_306 = vector.shape_cast %parallel_loop3A_296 : vector<16xf32> to vector<1x1x1x16xf32>
          tpu.vector_store %arg10[%parallel_loop3A_300, %parallel_loop3A_301, %parallel_loop3A_302, %parallel_loop3A_303], %parallel_loop3A_306 {strides = array<i32>} : memref<4x6x4x128xf32, #tpu.memory_space<vmem>>, vector<1x1x1x16xf32>,
        } {sc.loop_unroll_factor = 8 : i64, sc.parallel_access}
      } {sc.loop_unroll_factor = 1 : i64, sc.parallel_access}
      %add3A_119 = arith.addi %mul3A_2, %add3A_110 : i32
      %dma_start3A_120 = arith.constant 0 : i32
      %dma_start3A_121 = arith.constant 0 : i32
      %dma_start3A_122 = arith.constant 0 : i32
      %dma_start3A_123 = tpu.memref_slice %arg5[%add3A_119, %dma_start3A_120, %dma_start3A_121, %dma_start3A_122] : memref<2048x6x4x128xf32, #tpu.memory_space<hbm>> -> memref<4x6x4x128xf32, #tpu.memory_space<hbm>>
      %dma_start3A_124 = arith.constant 0 : i32
      %dma_start3A_125 = arith.constant 0 : i32
      %dma_start3A_126 = arith.constant 0 : i32
      %dma_start3A_127 = tpu.memref_slice %arg5[%add3A_119, %dma_start3A_124, %dma_start3A_125, %dma_start3A_126] : memref<2048x6x4x128xf32, #tpu.memory_space<hbm>> -> memref<4x6x4x128xf32, #tpu.memory_space<hbm>>
      tpu.enqueue_dma source(%arg10 : memref<4x6x4x128xf32, #tpu.memory_space<vmem>>) target(%dma_start3A_127 : memref<4x6x4x128xf32, #tpu.memory_space<hbm>>) target_semaphore(%arg14 : memref<!tpu.dma_semaphore, #tpu.memory_space<semaphore_mem>>)
      %mul3A_128 = arith.constant 8 : i32
      %mul3A_129 = arith.muli %add3A_100, %mul3A_128 : i32
      %add3A_130 = arith.constant 4 : i32
      %add3A_131 = arith.addi %mul3A_129, %add3A_130 : i32
      %gt3A_132 = arith.constant 0 : i32
      %gt3A_133 = arith.cmpi sgt, %add3A_100, %gt3A_132 : i32
      %convert_element_type3A_134 = arith.extui %gt3A_133 : i1 to i32
      %cond3A_135 = arith.constant 0 : i32
      %cond3A_136 = arith.cmpi ne, %convert_element_type3A_134, %cond3A_135 : i32
      scf.if %cond3A_136 {
        %dma_wait3A_157 = arith.constant 0 : i32
        %dma_wait3A_158 = arith.constant 0 : i32
        %dma_wait3A_159 = arith.constant 0 : i32
        %dma_wait3A_160 = arith.constant 0 : i32
        %dma_wait3A_161 = tpu.memref_slice %arg5[%dma_wait3A_157, %dma_wait3A_158, %dma_wait3A_159, %dma_wait3A_160] : memref<2048x6x4x128xf32, #tpu.memory_space<hbm>> -> memref<4x6x4x128xf32, #tpu.memory_space<hbm>>
        %dma_wait3A_162 = arith.constant 0 : i32
        %dma_wait3A_163 = arith.constant 0 : i32
        %dma_wait3A_164 = arith.constant 0 : i32
        %dma_wait3A_165 = arith.constant 0 : i32
        %dma_wait3A_166 = tpu.memref_slice %arg5[%dma_wait3A_162, %dma_wait3A_163, %dma_wait3A_164, %dma_wait3A_165] : memref<2048x6x4x128xf32, #tpu.memory_space<hbm>> -> memref<4x6x4x128xf32, #tpu.memory_space<hbm>>
        tpu.wait_dma2 semaphore(%arg15 : memref<!tpu.dma_semaphore, #tpu.memory_space<semaphore_mem>>) src(%arg11 : memref<4x6x4x128xf32, #tpu.memory_space<vmem>>) dst(%dma_wait3A_166 : memref<4x6x4x128xf32, #tpu.memory_space<hbm>>)
      } else {
      }
      %parallel_loop3A_137 = arith.constant 0 : i32
      %parallel_loop3A_138 = arith.constant 4 : i32
      %parallel_loop3A_139 = arith.constant 1 : i32
      scf.for %parallel_loop3A_157 = %parallel_loop3A_137 to %parallel_loop3A_138 step %parallel_loop3A_139  : i32 {
        %parallel_loop3A_158 = arith.constant 0 : i32
        %parallel_loop3A_159 = arith.constant 48 : i32
        %parallel_loop3A_160 = arith.constant 1 : i32
        scf.for %parallel_loop3A_161 = %parallel_loop3A_158 to %parallel_loop3A_159 step %parallel_loop3A_160  : i32 {
          %parallel_loop3A_162 = arith.constant 8 : i32
          %parallel_loop3A_163 = arith.divsi %parallel_loop3A_161, %parallel_loop3A_162 : i32
          %parallel_loop3A_164 = arith.constant 0 : i32
          %parallel_loop3A_165 = arith.cmpi sgt, %parallel_loop3A_161, %parallel_loop3A_164 : i32
          %parallel_loop3A_166 = arith.extui %parallel_loop3A_165 : i1 to i32
          %parallel_loop3A_167 = arith.constant 0 : i32
          %parallel_loop3A_168 = arith.cmpi slt, %parallel_loop3A_161, %parallel_loop3A_167 : i32
          %parallel_loop3A_169 = arith.extui %parallel_loop3A_168 : i1 to i32
          %parallel_loop3A_170 = arith.subi %parallel_loop3A_166, %parallel_loop3A_169 : i32
          %parallel_loop3A_171 = arith.constant 0 : i32
          %parallel_loop3A_172 = arith.cmpi sgt, %parallel_loop3A_162, %parallel_loop3A_171 : i32
          %parallel_loop3A_173 = arith.extui %parallel_loop3A_172 : i1 to i32
          %parallel_loop3A_174 = arith.constant 0 : i32
          %parallel_loop3A_175 = arith.cmpi slt, %parallel_loop3A_162, %parallel_loop3A_174 : i32
          %parallel_loop3A_176 = arith.extui %parallel_loop3A_175 : i1 to i32
          %parallel_loop3A_177 = arith.subi %parallel_loop3A_173, %parallel_loop3A_176 : i32
          %parallel_loop3A_178 = arith.cmpi ne, %parallel_loop3A_170, %parallel_loop3A_177 : i32
          %parallel_loop3A_179 = arith.remsi %parallel_loop3A_161, %parallel_loop3A_162 : i32
          %parallel_loop3A_180 = arith.constant 0 : i32
          %parallel_loop3A_181 = arith.cmpi ne, %parallel_loop3A_179, %parallel_loop3A_180 : i32
          %parallel_loop3A_182 = arith.andi %parallel_loop3A_178, %parallel_loop3A_181 : i1
          %parallel_loop3A_183 = arith.constant 1 : i32
          %parallel_loop3A_184 = arith.subi %parallel_loop3A_163, %parallel_loop3A_183 : i32
          %parallel_loop3A_185 = arith.select %parallel_loop3A_182, %parallel_loop3A_184, %parallel_loop3A_163 : i32
          %parallel_loop3A_186 = arith.constant 8 : i32
          %parallel_loop3A_187 = arith.constant 0 : i32
          %parallel_loop3A_188 = arith.cmpi eq, %parallel_loop3A_186, %parallel_loop3A_187 : i32
          %parallel_loop3A_189 = arith.constant 1 : i32
          %parallel_loop3A_190 = arith.select %parallel_loop3A_188, %parallel_loop3A_189, %parallel_loop3A_186 : i32
          %parallel_loop3A_191 = arith.remsi %parallel_loop3A_161, %parallel_loop3A_190 : i32
          %parallel_loop3A_192 = arith.constant 0 : i32
          %parallel_loop3A_193 = arith.cmpi ne, %parallel_loop3A_191, %parallel_loop3A_192 : i32
          %parallel_loop3A_194 = arith.constant 0 : i32
          %parallel_loop3A_195 = arith.cmpi slt, %parallel_loop3A_191, %parallel_loop3A_194 : i32
          %parallel_loop3A_196 = arith.constant 0 : i32
          %parallel_loop3A_197 = arith.cmpi slt, %parallel_loop3A_190, %parallel_loop3A_196 : i32
          %parallel_loop3A_198 = arith.xori %parallel_loop3A_195, %parallel_loop3A_197 : i1
          %parallel_loop3A_199 = arith.andi %parallel_loop3A_198, %parallel_loop3A_193 : i1
          %parallel_loop3A_200 = arith.addi %parallel_loop3A_191, %parallel_loop3A_190 : i32
          %parallel_loop3A_201 = arith.select %parallel_loop3A_199, %parallel_loop3A_200, %parallel_loop3A_191 : i32
          %parallel_loop3A_202 = arith.constant 16 : i32
          %parallel_loop3A_203 = arith.muli %parallel_loop3A_161, %parallel_loop3A_202 : i32
          %parallel_loop3A_204 = arith.addi %add3A_131, %parallel_loop3A_157 : i32
          %parallel_loop3A_205 = arith.constant 0 : i32
          %parallel_loop3A_206 = arith.index_cast %parallel_loop3A_204 : i32 to index
          %parallel_loop3A_207 = arith.index_cast %parallel_loop3A_205 : i32 to index
          %parallel_loop3A_208 = arith.index_cast %parallel_loop3A_203 : i32 to index
          %parallel_loop3A_209 = tpu.vector_load %arg7[%parallel_loop3A_206, %parallel_loop3A_207, %parallel_loop3A_208] {strides = array<i32>} : memref<64x1x768xf32, #tpu.memory_space<vmem>>, vector<1x1x16xf32>,
          %parallel_loop3A_210 = vector.shape_cast %parallel_loop3A_209 : vector<1x1x16xf32> to vector<16xf32>
          %parallel_loop3A_211 = arith.constant 4 : i32
          %parallel_loop3A_212 = arith.muli %parallel_loop3A_157, %parallel_loop3A_211 : i32
          %parallel_loop3A_213 = arith.constant 16 : i32
          %parallel_loop3A_214 = arith.addi %parallel_loop3A_213, %parallel_loop3A_212 : i32
          %parallel_loop3A_215 = arith.constant 0 : i32
          %parallel_loop3A_216 = arith.addi %parallel_loop3A_214, %parallel_loop3A_215 : i32
          %parallel_loop3A_217 = arith.index_cast %parallel_loop3A_216 : i32 to index
          %parallel_loop3A_218 = arith.index_cast %parallel_loop3A_203 : i32 to index
          %parallel_loop3A_219 = tpu.vector_load %arg9[%parallel_loop3A_217, %parallel_loop3A_218] {strides = array<i32>} : memref<32x768xf32, #tpu.memory_space<vmem>>, vector<1x16xf32>,
          %parallel_loop3A_220 = vector.shape_cast %parallel_loop3A_219 : vector<1x16xf32> to vector<16xf32>
          %parallel_loop3A_221 = arith.constant 27.7128124 : f32
          %parallel_loop3A_222 = vector.broadcast %parallel_loop3A_221 : f32 to vector<16xf32>
          %parallel_loop3A_223 = arith.mulf %parallel_loop3A_220, %parallel_loop3A_222 : vector<16xf32>
          %parallel_loop3A_224 = arith.addf %parallel_loop3A_223, %parallel_loop3A_210 : vector<16xf32>
          %parallel_loop3A_225 = arith.constant 16 : i32
          %parallel_loop3A_226 = arith.muli %parallel_loop3A_201, %parallel_loop3A_225 : i32
          %parallel_loop3A_227 = arith.constant 0 : i32
          %parallel_loop3A_228 = arith.index_cast %parallel_loop3A_157 : i32 to index
          %parallel_loop3A_229 = arith.index_cast %parallel_loop3A_185 : i32 to index
          %parallel_loop3A_230 = arith.index_cast %parallel_loop3A_227 : i32 to index
          %parallel_loop3A_231 = arith.index_cast %parallel_loop3A_226 : i32 to index
          %parallel_loop3A_232 = tpu.vector_load %arg11[%parallel_loop3A_228, %parallel_loop3A_229, %parallel_loop3A_230, %parallel_loop3A_231] {strides = array<i32>} : memref<4x6x4x128xf32, #tpu.memory_space<vmem>>, vector<1x1x1x16xf32>,
          %parallel_loop3A_233 = vector.shape_cast %parallel_loop3A_232 : vector<1x1x1x16xf32> to vector<16xf32>
          %parallel_loop3A_234 = vector.shape_cast %parallel_loop3A_224 : vector<16xf32> to vector<1x1x1x16xf32>
          tpu.vector_store %arg11[%parallel_loop3A_228, %parallel_loop3A_229, %parallel_loop3A_230, %parallel_loop3A_231], %parallel_loop3A_234 {strides = array<i32>} : memref<4x6x4x128xf32, #tpu.memory_space<vmem>>, vector<1x1x1x16xf32>,
          %parallel_loop3A_235 = arith.constant 4 : i32
          %parallel_loop3A_236 = arith.muli %parallel_loop3A_157, %parallel_loop3A_235 : i32
          %parallel_loop3A_237 = arith.constant 16 : i32
          %parallel_loop3A_238 = arith.addi %parallel_loop3A_237, %parallel_loop3A_236 : i32
          %parallel_loop3A_239 = arith.constant 1 : i32
          %parallel_loop3A_240 = arith.addi %parallel_loop3A_238, %parallel_loop3A_239 : i32
          %parallel_loop3A_241 = arith.index_cast %parallel_loop3A_240 : i32 to index
          %parallel_loop3A_242 = arith.index_cast %parallel_loop3A_203 : i32 to index
          %parallel_loop3A_243 = tpu.vector_load %arg9[%parallel_loop3A_241, %parallel_loop3A_242] {strides = array<i32>} : memref<32x768xf32, #tpu.memory_space<vmem>>, vector<1x16xf32>,
          %parallel_loop3A_244 = vector.shape_cast %parallel_loop3A_243 : vector<1x16xf32> to vector<16xf32>
          %parallel_loop3A_245 = arith.constant 27.7128124 : f32
          %parallel_loop3A_246 = vector.broadcast %parallel_loop3A_245 : f32 to vector<16xf32>
          %parallel_loop3A_247 = arith.mulf %parallel_loop3A_244, %parallel_loop3A_246 : vector<16xf32>
          %parallel_loop3A_248 = arith.addf %parallel_loop3A_247, %parallel_loop3A_210 : vector<16xf32>
          %parallel_loop3A_249 = arith.constant 16 : i32
          %parallel_loop3A_250 = arith.muli %parallel_loop3A_201, %parallel_loop3A_249 : i32
          %parallel_loop3A_251 = arith.constant 1 : i32
          %parallel_loop3A_252 = arith.index_cast %parallel_loop3A_157 : i32 to index
          %parallel_loop3A_253 = arith.index_cast %parallel_loop3A_185 : i32 to index
          %parallel_loop3A_254 = arith.index_cast %parallel_loop3A_251 : i32 to index
          %parallel_loop3A_255 = arith.index_cast %parallel_loop3A_250 : i32 to index
          %parallel_loop3A_256 = tpu.vector_load %arg11[%parallel_loop3A_252, %parallel_loop3A_253, %parallel_loop3A_254, %parallel_loop3A_255] {strides = array<i32>} : memref<4x6x4x128xf32, #tpu.memory_space<vmem>>, vector<1x1x1x16xf32>,
          %parallel_loop3A_257 = vector.shape_cast %parallel_loop3A_256 : vector<1x1x1x16xf32> to vector<16xf32>
          %parallel_loop3A_258 = vector.shape_cast %parallel_loop3A_248 : vector<16xf32> to vector<1x1x1x16xf32>
          tpu.vector_store %arg11[%parallel_loop3A_252, %parallel_loop3A_253, %parallel_loop3A_254, %parallel_loop3A_255], %parallel_loop3A_258 {strides = array<i32>} : memref<4x6x4x128xf32, #tpu.memory_space<vmem>>, vector<1x1x1x16xf32>,
          %parallel_loop3A_259 = arith.constant 4 : i32
          %parallel_loop3A_260 = arith.muli %parallel_loop3A_157, %parallel_loop3A_259 : i32
          %parallel_loop3A_261 = arith.constant 16 : i32
          %parallel_loop3A_262 = arith.addi %parallel_loop3A_261, %parallel_loop3A_260 : i32
          %parallel_loop3A_263 = arith.constant 2 : i32
          %parallel_loop3A_264 = arith.addi %parallel_loop3A_262, %parallel_loop3A_263 : i32
          %parallel_loop3A_265 = arith.index_cast %parallel_loop3A_264 : i32 to index
          %parallel_loop3A_266 = arith.index_cast %parallel_loop3A_203 : i32 to index
          %parallel_loop3A_267 = tpu.vector_load %arg9[%parallel_loop3A_265, %parallel_loop3A_266] {strides = array<i32>} : memref<32x768xf32, #tpu.memory_space<vmem>>, vector<1x16xf32>,
          %parallel_loop3A_268 = vector.shape_cast %parallel_loop3A_267 : vector<1x16xf32> to vector<16xf32>
          %parallel_loop3A_269 = arith.constant 27.7128124 : f32
          %parallel_loop3A_270 = vector.broadcast %parallel_loop3A_269 : f32 to vector<16xf32>
          %parallel_loop3A_271 = arith.mulf %parallel_loop3A_268, %parallel_loop3A_270 : vector<16xf32>
          %parallel_loop3A_272 = arith.addf %parallel_loop3A_271, %parallel_loop3A_210 : vector<16xf32>
          %parallel_loop3A_273 = arith.constant 16 : i32
          %parallel_loop3A_274 = arith.muli %parallel_loop3A_201, %parallel_loop3A_273 : i32
          %parallel_loop3A_275 = arith.constant 2 : i32
          %parallel_loop3A_276 = arith.index_cast %parallel_loop3A_157 : i32 to index
          %parallel_loop3A_277 = arith.index_cast %parallel_loop3A_185 : i32 to index
          %parallel_loop3A_278 = arith.index_cast %parallel_loop3A_275 : i32 to index
          %parallel_loop3A_279 = arith.index_cast %parallel_loop3A_274 : i32 to index
          %parallel_loop3A_280 = tpu.vector_load %arg11[%parallel_loop3A_276, %parallel_loop3A_277, %parallel_loop3A_278, %parallel_loop3A_279] {strides = array<i32>} : memref<4x6x4x128xf32, #tpu.memory_space<vmem>>, vector<1x1x1x16xf32>,
          %parallel_loop3A_281 = vector.shape_cast %parallel_loop3A_280 : vector<1x1x1x16xf32> to vector<16xf32>
          %parallel_loop3A_282 = vector.shape_cast %parallel_loop3A_272 : vector<16xf32> to vector<1x1x1x16xf32>
          tpu.vector_store %arg11[%parallel_loop3A_276, %parallel_loop3A_277, %parallel_loop3A_278, %parallel_loop3A_279], %parallel_loop3A_282 {strides = array<i32>} : memref<4x6x4x128xf32, #tpu.memory_space<vmem>>, vector<1x1x1x16xf32>,
          %parallel_loop3A_283 = arith.constant 4 : i32
          %parallel_loop3A_284 = arith.muli %parallel_loop3A_157, %parallel_loop3A_283 : i32
          %parallel_loop3A_285 = arith.constant 16 : i32
          %parallel_loop3A_286 = arith.addi %parallel_loop3A_285, %parallel_loop3A_284 : i32
          %parallel_loop3A_287 = arith.constant 3 : i32
          %parallel_loop3A_288 = arith.addi %parallel_loop3A_286, %parallel_loop3A_287 : i32
          %parallel_loop3A_289 = arith.index_cast %parallel_loop3A_288 : i32 to index
          %parallel_loop3A_290 = arith.index_cast %parallel_loop3A_203 : i32 to index
          %parallel_loop3A_291 = tpu.vector_load %arg9[%parallel_loop3A_289, %parallel_loop3A_290] {strides = array<i32>} : memref<32x768xf32, #tpu.memory_space<vmem>>, vector<1x16xf32>,
          %parallel_loop3A_292 = vector.shape_cast %parallel_loop3A_291 : vector<1x16xf32> to vector<16xf32>
          %parallel_loop3A_293 = arith.constant 27.7128124 : f32
          %parallel_loop3A_294 = vector.broadcast %parallel_loop3A_293 : f32 to vector<16xf32>
          %parallel_loop3A_295 = arith.mulf %parallel_loop3A_292, %parallel_loop3A_294 : vector<16xf32>
          %parallel_loop3A_296 = arith.addf %parallel_loop3A_295, %parallel_loop3A_210 : vector<16xf32>
          %parallel_loop3A_297 = arith.constant 16 : i32
          %parallel_loop3A_298 = arith.muli %parallel_loop3A_201, %parallel_loop3A_297 : i32
          %parallel_loop3A_299 = arith.constant 3 : i32
          %parallel_loop3A_300 = arith.index_cast %parallel_loop3A_157 : i32 to index
          %parallel_loop3A_301 = arith.index_cast %parallel_loop3A_185 : i32 to index
          %parallel_loop3A_302 = arith.index_cast %parallel_loop3A_299 : i32 to index
          %parallel_loop3A_303 = arith.index_cast %parallel_loop3A_298 : i32 to index
          %parallel_loop3A_304 = tpu.vector_load %arg11[%parallel_loop3A_300, %parallel_loop3A_301, %parallel_loop3A_302, %parallel_loop3A_303] {strides = array<i32>} : memref<4x6x4x128xf32, #tpu.memory_space<vmem>>, vector<1x1x1x16xf32>,
          %parallel_loop3A_305 = vector.shape_cast %parallel_loop3A_304 : vector<1x1x1x16xf32> to vector<16xf32>
          %parallel_loop3A_306 = vector.shape_cast %parallel_loop3A_296 : vector<16xf32> to vector<1x1x1x16xf32>
          tpu.vector_store %arg11[%parallel_loop3A_300, %parallel_loop3A_301, %parallel_loop3A_302, %parallel_loop3A_303], %parallel_loop3A_306 {strides = array<i32>} : memref<4x6x4x128xf32, #tpu.memory_space<vmem>>, vector<1x1x1x16xf32>,
        } {sc.loop_unroll_factor = 8 : i64, sc.parallel_access}
      } {sc.loop_unroll_factor = 1 : i64, sc.parallel_access}
      %add3A_140 = arith.addi %mul3A_2, %add3A_131 : i32
      %dma_start3A_141 = arith.constant 0 : i32
      %dma_start3A_142 = arith.constant 0 : i32
      %dma_start3A_143 = arith.constant 0 : i32
      %dma_start3A_144 = tpu.memref_slice %arg5[%add3A_140, %dma_start3A_141, %dma_start3A_142, %dma_start3A_143] : memref<2048x6x4x128xf32, #tpu.memory_space<hbm>> -> memref<4x6x4x128xf32, #tpu.memory_space<hbm>>
      %dma_start3A_145 = arith.constant 0 : i32
      %dma_start3A_146 = arith.constant 0 : i32
      %dma_start3A_147 = arith.constant 0 : i32
      %dma_start3A_148 = tpu.memref_slice %arg5[%add3A_140, %dma_start3A_145, %dma_start3A_146, %dma_start3A_147] : memref<2048x6x4x128xf32, #tpu.memory_space<hbm>> -> memref<4x6x4x128xf32, #tpu.memory_space<hbm>>
      tpu.enqueue_dma source(%arg11 : memref<4x6x4x128xf32, #tpu.memory_space<vmem>>) target(%dma_start3A_148 : memref<4x6x4x128xf32, #tpu.memory_space<hbm>>) target_semaphore(%arg15 : memref<!tpu.dma_semaphore, #tpu.memory_space<semaphore_mem>>)
      %add3A_149 = arith.constant 2 : i32
      %add3A_150 = arith.addi %add3A_100, %add3A_149 : i32
      %lt3A_151 = arith.constant 8 : i32
      %lt3A_152 = arith.cmpi slt, %add3A_150, %lt3A_151 : i32
      %convert_element_type3A_153 = arith.extui %lt3A_152 : i1 to i32
      %cond3A_154 = arith.constant 0 : i32
      %cond3A_155 = arith.cmpi ne, %convert_element_type3A_153, %cond3A_154 : i32
      scf.if %cond3A_155 {
        %add3A_157 = arith.constant 2 : i32
        %add3A_158 = arith.addi %add3A_100, %add3A_157 : i32
        %dma_start3A_159 = arith.constant 0 : i32
        %dma_start3A_160 = tpu.memref_slice %arg6[%add3A_158, %dma_start3A_159] : memref<8x32xi32, #tpu.memory_space<vmem>> -> memref<1x32xi32, #tpu.memory_space<vmem>>
        %dma_start3A_161 = tpu.memref_squeeze %dma_start3A_160 : memref<1x32xi32, #tpu.memory_space<vmem>> -> memref<32xi32, #tpu.memory_space<vmem>>
        %dma_start3A_162 = arith.constant 0 : i32
        %dma_start3A_163 = arith.constant 0 : i32
        %dma_start3A_164 = tpu.memref_slice %arg4[%dma_start3A_162, %dma_start3A_163] : memref<100000x768xf32, #tpu.memory_space<hbm>> -> memref<100000x768xf32, #tpu.memory_space<hbm>>
        tpu.enqueue_indirect_dma source(%dma_start3A_164 : memref<100000x768xf32, #tpu.memory_space<hbm>>) target(%arg9 : memref<32x768xf32, #tpu.memory_space<vmem>>) offsets(%dma_start3A_161 : memref<32xi32, #tpu.memory_space<vmem>>) semaphore(%arg13 : memref<!tpu.dma_semaphore, #tpu.memory_space<semaphore_mem>>)
      } else {
      }
      %scan3A_156 = arith.constant 0 : i32
      scf.yield %scan3A_156 : i32
    }
    %scan3A_21 = arith.constant 4 : i32
    %dma_wait3A = arith.constant 0 : i32
    %dma_wait3A_22 = arith.constant 0 : i32
    %dma_wait3A_23 = arith.constant 0 : i32
    %dma_wait3A_24 = arith.constant 0 : i32
    %dma_wait3A_25 = tpu.memref_slice %arg5[%dma_wait3A, %dma_wait3A_22, %dma_wait3A_23, %dma_wait3A_24] : memref<2048x6x4x128xf32, #tpu.memory_space<hbm>> -> memref<4x6x4x128xf32, #tpu.memory_space<hbm>>
    %dma_wait3A_26 = arith.constant 0 : i32
    %dma_wait3A_27 = arith.constant 0 : i32
    %dma_wait3A_28 = arith.constant 0 : i32
    %dma_wait3A_29 = arith.constant 0 : i32
    %dma_wait3A_30 = tpu.memref_slice %arg5[%dma_wait3A_26, %dma_wait3A_27, %dma_wait3A_28, %dma_wait3A_29] : memref<2048x6x4x128xf32, #tpu.memory_space<hbm>> -> memref<4x6x4x128xf32, #tpu.memory_space<hbm>>
    tpu.wait_dma2 semaphore(%arg14 : memref<!tpu.dma_semaphore, #tpu.memory_space<semaphore_mem>>) src(%arg10 : memref<4x6x4x128xf32, #tpu.memory_space<vmem>>) dst(%dma_wait3A_30 : memref<4x6x4x128xf32, #tpu.memory_space<hbm>>)
    %dma_wait3A_31 = arith.constant 0 : i32
    %dma_wait3A_32 = arith.constant 0 : i32
    %dma_wait3A_33 = arith.constant 0 : i32
    %dma_wait3A_34 = arith.constant 0 : i32
    %dma_wait3A_35 = tpu.memref_slice %arg5[%dma_wait3A_31, %dma_wait3A_32, %dma_wait3A_33, %dma_wait3A_34] : memref<2048x6x4x128xf32, #tpu.memory_space<hbm>> -> memref<4x6x4x128xf32, #tpu.memory_space<hbm>>
    %dma_wait3A_36 = arith.constant 0 : i32
    %dma_wait3A_37 = arith.constant 0 : i32
    %dma_wait3A_38 = arith.constant 0 : i32
    %dma_wait3A_39 = arith.constant 0 : i32
    %dma_wait3A_40 = tpu.memref_slice %arg5[%dma_wait3A_36, %dma_wait3A_37, %dma_wait3A_38, %dma_wait3A_39] : memref<2048x6x4x128xf32, #tpu.memory_space<hbm>> -> memref<4x6x4x128xf32, #tpu.memory_space<hbm>>
    tpu.wait_dma2 semaphore(%arg15 : memref<!tpu.dma_semaphore, #tpu.memory_space<semaphore_mem>>) src(%arg11 : memref<4x6x4x128xf32, #tpu.memory_space<vmem>>) dst(%dma_wait3A_40 : memref<4x6x4x128xf32, #tpu.memory_space<hbm>>)
    return
  }
}

</mosaic_0001>

<sc_bundles>
// kernel: kernel.3.cloned.1.call-start
scs
__scs_entry_jumppad:
0x0: {  	(pc) =	sbr.rel $0x88, $3  }
0x1: {  	(tag) =	ssettag $0x0;
	lr =	simm.s32 $0x1  }
0x2: {  	[smem:$0x3F9E] =	sst lr;
	_ =	strace $0xD0000000  }
0x3: {  	_ = 	snop  }
0x4: {  	_ = 	snop  }
0x5: {  	_ = 	snop  }
0x6: {  	_ = 	snop  }
0x7: {  	_ = 	snop  }
__scs_overlays_trampoline_lowered:
0x8: {  	[smem:$0x3FAD] =	sst s0  }
0x9: {  	[smem:$0x3FAE] =	sst s1  }
0xa: {  	[smem:$0x3FAF] =	sst s2  }
0xb: {  	[smem:$0x3FB0] =	sst s3  }
0xc: {  	[smem:$0x3FB1] =	sst s4  }
0xd: {  	[smem:$0x3FB2] =	sst s5  }
0xe: {  	[smem:$0x3FB3] =	sst s6  }
0xf: {  	[smem:$0x3FB4] =	sst s7  }
0x10: {  	[smem:$0x3FB5] =	sst s8  }
0x11: {  	[smem:$0x3FB6] =	sst s9;
	s0 =	simm.s32 @!p0 $0x0  }
0x12: {  	s1 =	sld [smem:$0x3F9C];
	s0 =	simm.s32 @p0 $0x1  }
0x13: {  	[smem:$0x3FB7] =	sst s0;
	s0 =	simm.s32 @!p1 $0x0  }
0x14: {  	s2 =	sld [smem:$0x3F9B];
	s0 =	simm.s32 @p1 $0x1  }
0x15: {  	[smem:$0x3FB8] =	sst s0;
	s0 =	simm.s32 @!p2 $0x0  }
0x16: {  	s3 =	sld [smem:$0x3FDB];
	s0 =	simm.s32 @p2 $0x1  }
0x17: {  	s4 =	simm.s32 $0x1BF5;
	[smem:$0x3FBA] =	sst s0  }
0x18: {  	s0 =	sld [smem:$0x3F9D];
	_ =	swait.ge [sflag:s4], $0x0  }
0x19: {  	s7 =	sld [smem:$0x3F9E]  }
0x1a: {  	s8 =	sadd.s32 $0xFFFFE003, lr  }
0x1b: {  	s9 =	sadd.s32 $0xFFFFFEF7, lr;
	s5 =	simm.s32 $0xFFFFFFFF;
	p2 =	slt.u32 s8, $0xFFFFF086  }
0x1c: {  	p1 =	slt.u32 s9, $0xF7A;
	s5 =	simm.s32 @!p2 $0x0  }
0x1d: {  	s5 =	simm.s32 @p1 $0x1;
	p0 =	seq.s32 s7, s2  }
0x1e: {  	s7 =	smul.u32 @!p0 $0xF7A, s2;
	p2 =	seq.s32 @!p0 s5, $0x0  }
0x1f: {  	s9 =	smul.u32 $0xF7A, s1;
	s8 =	simm.s32 @!p0 $0x1BF5;
	p2 =	por !p2, p0  }
0x20: {  	[sflag:s8] =	ssyncset.s32 @!p0 $0xFFFFF086;
	s6 =	sadd.s32 @!p0 s3, s7;
	s7 =	simm.s32 @!p0 $0x108  }
0x21: {  	s3 =	sadd.s32 s3, s9;
	s6 =	sadd.s32 @!p0 $0x88, s6;
	s7 =	simm.s32 @p2 $0x1082  }
0x22: {  	[simem:s7], [sflag:s8] =	dma.local @!p0 [hbm:s6], $0xF7A  }
0x23: {  	s9 =	sor.u32 $0xD0000000, s2;
	s6 =	simm.s32 $0x108;
	_ =	swait.ge @!p0 [sflag:s8], $0x0  }
0x24: {  	s3 =	sadd.s32 $0x88, s3;
	s6 =	simm.s32 @!p1 $0x1082;
	[sflag:s4] =	ssyncset.s32 $0xFFFFF086  }
0x25: {  	[simem:s6], [sflag:s4] =	dma.local [hbm:s3], $0xF7A  }
0x26: {  	[smem:$0x3F9E] =	sst s1;
	(tag) =	ssettag s2;
	_ =	strace s9  }
0x27: {  	s1 =	sld [smem:$0x3FAE]  }
0x28: {  	s2 =	sld [smem:$0x3FAF]  }
0x29: {  	s4 =	sld [smem:$0x3FB1]  }
0x2a: {  	p0 =	seq.s32 s5, $0x0;
	s5 =	sld [smem:$0x3FB2]  }
0x2b: {  	s6 =	sld [smem:$0x3FB3]  }
0x2c: {  	s7 =	sld [smem:$0x3FB4]  }
0x2d: {  	s3 =	simm.s32 $0x108;
	s8 =	sld [smem:$0x3FB5]  }
0x2e: {  	s3 =	simm.s32 @!p0 $0x1082;
	s9 =	sld [smem:$0x3FB6]  }
0x2f: {  	lr =	sadd.s32 s0, s3;
	s0 =	sld [smem:$0x3FAD]  }
0x30: {  	s3 =	sld [smem:$0x3FB0]  }
0x31: {  	[smem:$0x3FB9] =	sst s10  }
0x32: {  	s10 =	sld [smem:$0x3FB7];
	_ =	sdelay $0x3  }
0x33: {  	p0 =	seq.s32 s10, $0x1;
	s10 =	sld [smem:$0x3FB9];
	_ =	sdelay $0x3  }
0x34: {  	[smem:$0x3FB9] =	sst s10  }
0x35: {  	s10 =	sld [smem:$0x3FB8];
	_ =	sdelay $0x3  }
0x36: {  	p1 =	seq.s32 s10, $0x1;
	s10 =	sld [smem:$0x3FB9];
	_ =	sdelay $0x3  }
0x37: {  	[smem:$0x3FB9] =	sst s10  }
0x38: {  	s10 =	sld [smem:$0x3FBA]  }
0x39: {  	_ = 	snop;
	(pc) =	sbr.ind lr, $3  }
0x3a: {  	_ = 	snop  }
0x3b: {  	_ = 	snop  }
0x3c: {  	p2 =	seq.s32 s10, $0x1;
	s10 =	sld [smem:$0x3FB9]  }
0x3d: {  	_ =	shalt  }
0x3e: {  	_ =	shalt  }
0x3f: {  	_ =	shalt  }
0x40: {  	_ =	shalt  }
0x41: {  	_ =	shalt  }
0x42: {  	_ =	shalt  }
0x43: {  	_ =	shalt  }
0x44: {  	_ =	shalt  }
0x45: {  	_ =	shalt  }
0x46: {  	_ =	shalt  }
0x47: {  	_ =	shalt  }
0x48: {  	_ =	shalt  }
0x49: {  	_ =	shalt  }
0x4a: {  	_ =	shalt  }
0x4b: {  	_ =	shalt  }
0x4c: {  	_ =	shalt  }
0x4d: {  	_ =	shalt  }
0x4e: {  	_ =	shalt  }
0x4f: {  	_ =	shalt  }
0x50: {  	_ =	shalt  }
0x51: {  	_ =	shalt  }
0x52: {  	_ =	shalt  }
0x53: {  	_ =	shalt  }
0x54: {  	_ =	shalt  }
0x55: {  	_ =	shalt  }
0x56: {  	_ =	shalt  }
0x57: {  	_ =	shalt  }
0x58: {  	_ =	shalt  }
0x59: {  	_ =	shalt  }
0x5a: {  	_ =	shalt  }
0x5b: {  	_ =	shalt  }
0x5c: {  	_ =	shalt  }
0x5d: {  	_ =	shalt  }
0x5e: {  	_ =	shalt  }
0x5f: {  	_ =	shalt  }
0x60: {  	_ =	shalt  }
0x61: {  	_ =	shalt  }
0x62: {  	_ =	shalt  }
0x63: {  	_ =	shalt  }
0x64: {  	_ =	shalt  }
0x65: {  	_ =	shalt  }
0x66: {  	_ =	shalt  }
0x67: {  	_ =	shalt  }
0x68: {  	_ =	shalt  }
0x69: {  	_ =	shalt  }
0x6a: {  	_ =	shalt  }
0x6b: {  	_ =	shalt  }
0x6c: {  	_ =	shalt  }
0x6d: {  	_ =	shalt  }
0x6e: {  	_ =	shalt  }
0x6f: {  	_ =	shalt  }
0x70: {  	_ =	shalt  }
0x71: {  	_ =	shalt  }
0x72: {  	_ =	shalt  }
0x73: {  	_ =	shalt  }
0x74: {  	_ =	shalt  }
0x75: {  	_ =	shalt  }
0x76: {  	_ =	shalt  }
0x77: {  	_ =	shalt  }
0x78: {  	_ =	shalt  }
0x79: {  	_ =	shalt  }
0x7a: {  	_ =	shalt  }
0x7b: {  	_ =	shalt  }
0x7c: {  	_ =	shalt  }
0x7d: {  	_ =	shalt  }
0x7e: {  	_ =	shalt  }
0x7f: {  	_ =	shalt  }
0x80: {  	_ =	shalt  }
0x81: {  	_ =	shalt  }
0x82: {  	_ =	shalt  }
0x83: {  	_ =	shalt  }
0x84: {  	_ =	shalt  }
0x85: {  	_ =	shalt  }
0x86: {  	_ =	shalt  }
0x87: {  	_ =	shalt  }
.Lfunc_end0:
.L_simem_size_0:
called_computation_lowered:
.L_overlay_start_0:
0x88: {  	s2 =	sld [smem:$0x3FD9]  }
0x89: {  	s3 =	sld [smem:$0x3FFE];
	_ =	sdelay $0x1  }
0x8a: {  	s1 =	srdreg.scid  }
0x8b: {  	s0 =	sand.u32 $0x1, s1  }
0x8c: {  	s17 =	sshll.u32 s0, $0xA;
	s2 =	sadd.s32 s3, s2  }
0x8d: {  	s2 =	sadd.s32 s2, s17  }
0x8e: {  	[smem:$0x3FC5] =	sst s2  }
0x8f: {  	_ = 	snop  }
0x90: {  	s2 =	sld [smem:$0x3FC8]  }
0x91: {  	s18 =	sld [smem:$0x3FC7]  }
0x92: {  	s4 =	sld [smem:$0x3FD0];
	(tm) =	ssettm $0x1  }
0x93: {  	s5 =	sld [smem:$0x3FFB];
	_ =	sdelay $0x3  }
0x94: {  	_ =	strace s5  }
0x95: {  	s5 =	sld [smem:$0x3FFC];
	_ =	sdelay $0x3  }
0x96: {  	_ =	strace s5  }
0x97: {  	s5 =	sld [smem:$0x3FFD];
	_ =	sdelay $0x3  }
0x98: {  	_ =	strace s5  }
0x99: {  	_ =	strace $0x8FFFFFFF  }
0x9a: {  	s19 =	sld [smem:$0x3FDB];
	_ =	sdelay $0x1  }
0x9b: {  	s6 =	simm.s32 $_scs_section_size  }
0x9c: {  	s7 =	simm.s32 $_size__tile_overlayer_lowered;
	s8 =	simm.s32 $_tile_overlayer_lowered  }
0x9d: {  	s22 =	simm.s32 $0x1BFF;
	s21 =	sshll.u32 s8, $0x1;
	s5 =	sadd.s32 s6, s19  }
0x9e: {  	s9 =	simm.s32 $0x0;
	s20 =	sshll.u32 s7, $0x1;
	s7 =	sadd.s32 s21, s5  }
0x9f: {  	[timem:s9], [sflag:s22] =	dma.local [hbm:s7], s20  }
0xa0: {  	_ =	swait.ge [sflag:s22], s20  }
0xa1: {  	s6 =	ssub.s32 $0x0, s20;
	[sflag:s22] =	ssyncset.done $0x0  }
0xa2: {  	[sflag:s22] =	ssyncadd.s32 s6;
	_ =	sdelay $0x1  }
0xa3: {  	s23 =	simm.s32 $0x1B8B  }
0xa4: {  	_ =	swait.ge [sflag:s23], $0x1  }
0xa5: {  	[sflag:s23] =	ssyncset.done $0x0  }
0xa6: {  	s25 =	simm.s32 $0x1B8E;
	s24 =	sld [smem:$0x3FFE];
	[sflag:s23] =	ssyncadd.s32 $0xFFFFFFFF  }
0xa7: {  	s26 =	simm.s32 $execute0_lowered;
	[smem:$0x3FD2] =	sst s25  }
0xa8: {  	s7 =	sshll.u32 s26, $0x1;
	_ =	strace $0x80000046;
	[dreg:$0x1] =	wrdreg $0xFFFFFFFF  }
0xa9: {  	s28 =	simm.s32 $_size_execute0_lowered;
	s5 =	sadd.s32 s5, s7;
	[dreg:$0x0] =	wrdreg $0x0  }
0xaa: {  	s7 =	sshll.u32 s28, $0x1;
	[dreg:$0x2] =	wrdreg s5  }
0xab: {  	[dreg:$0x3] =	wrdreg s7  }
0xac: {  	[dreg:$0x4] =	wrdreg $0xC0  }
0xad: {  	_ =	task [dreg:s9], $0x5FFFF  }
0xae: {  	[dreg:$0x1] =	wrdreg $0xFFFFFFFF  }
0xaf: {  	[dreg:$0x0] =	wrdreg $0x60  }
0xb0: {  	[dreg:$0x2] =	wrdreg s24  }
0xb1: {  	[dreg:$0x3] =	wrdreg s18  }
0xb2: {  	[dreg:$0x4] =	wrdreg s2  }
0xb3: {  	[dreg:$0x5] =	wrdreg s4  }
0xb4: {  	[dreg:$0x6] =	wrdreg $0x9  }
0xb5: {  	_ =	task.clear_ibuf [dreg:s9], $0x7FFFF;
	_ =	strace $0x90000046  }
0xb6: {  	s29 =	simm.s32 $0x9;
	_ =	strace $0x80000048  }
0xb7: {  	_ =	swait.ge [sflag:s29], $0x1  }
0xb8: {  	[sflag:s29] =	ssyncadd.s32 $0xFFFFFFFF  }
0xb9: {  	_ =	strace $0x90000048  }
0xba: {  	_ =	sfence  }
0xbb: {  	s30 =	sld [smem:$0x0];
	_ =	sdelay $0x2  }
0xbc: {  	s31 =	sshll.u32 s1, $0xD;
	s1 =	sshrl.u32 s1, $0x2  }
0xbd: {  	s3 =	sand.u32 $0x4000, s31;
	s1 =	sadd.s32 s1, s30  }
0xbe: {  	s0 =	sor.u32 s3, s0;
	s1 =	sshll.u32 s1, $0x11  }
0xbf: {  	s0 =	sor.u32 s1, s0  }
0xc0: {  	s0 =	sadd.s32 $0x8F2B, s0  }
0xc1: {  	[sflag:s0] =	ssyncadd.remote.s32 $0x1  }
0xc2: {  	_ =	sfence.sel $0xFFFF  }
0xc3: {  	[dreg:$0x0] =	wrdreg $0xFFFFFFFF;
	(pc) =	sbr.abs _section_cstart, $3  }
0xc4: {  	[dreg:$0x1] =	wrdreg $0xFFFFFFFF  }
0xc5: {  	_ =	task.clear_ibuf [dreg:s9], $0x2FFFF;
	_ =	strace $0x9FFFFFFF  }
0xc6: {  	(tm) =	ssettm $0x7FFFFFFF  }
0xc7: {  	_ =	shalt  }
tec
execute0_lowered:
.L_overlay_start_1:
0x0: {  	(tag) =	ssettag $0x1  }
0x1: {  	s0 =	rddreg [dreg:$0x0]  }
0x2: {  	s1 =	rddreg [dreg:$0x1]  }
0x3: {  	s2 =	rddreg [dreg:$0x2]  }
0x4: {  	s3 =	rddreg [dreg:$0x3]  }
0x5: {  	s5 =	srdreg.scid;
	s6 =	stileid.u32  }
0x6: {  	s4 =	simm.s32 $0x0;
	s30 =	simm.s32 $0x18400;
	s19 =	simm.s32 $0x2  }
0x7: {  	s20 =	simm.s32 $0x3;
	s5 =	sand.u32 $0x1, s5;
	s6 =	sshll.u32 s6, $0x1  }
0x8: {  	s21 =	simm.s32 $0x4;
	[smem:$0x7FF] =	sst s4;
	s6 =	sor.u32 s5, s6  }
0x9: {  	s5 =	ssub.s32 $0x2, s5;
	s7 =	sshll.u32 s6, $0x7;
	s9 =	smul.u32 $0x1800, s6  }
.Ltmp0:
0xa: {  	s8 =	sshrl.u32 s5, $0x1;
	s0 =	sadd.s32 s7, s0;
	(pc) =	sbr.rel .LBB2_1-.Ltmp0, $4  }
0xb: {  	_ =	strace $0x80000047;
	s28 =	ssub.s32 s5, s8;
	s0 =	sadd.s32 $0x400, s0  }
0xc: {  	v2 =	vlaneseq.u32;
	s5 =	sshll.u32 s6, $0x6;
	s29 =	sadd.s32 s1, s9;
	[dreg:$0x5] =	wrdreg s0  }
0xd: {  	vm0 =	vmmov $0xffff;
	v1 =	vshrl.u32 v2, $0x3;
	s8 =	sadd.s32 $0x100, s2;
	s31 =	smax.u32 s28, $0x1;
	[dreg:$0x6] =	wrdreg s29  }
0xe: {  	v0 =	vand.u32 $0x7, v2;
	v2 =	vor.u32 $0x8, v2;
	v1 =	vmul.u32 $0x8, v1;
	s9 =	sadd.s32 $0x200, s2;
	s1 =	simm.s32 $0x0;
	[dreg:$0x7] =	wrdreg s31  }
.LBB2_20:
0xf: {  	_ =	swait.ge [sflag:s20], $0x3000  }
0x10: {  	[sflag:s20] =	ssyncset.done $0x0  }
0x11: {  	[sflag:s20] =	ssyncadd.s32 $0xFFFFD000  }
0x12: {  	_ =	swait.ge [sflag:s21], $0x3000  }
0x13: {  	s1 =	rddreg [dreg:$0x8]  }
0x14: {  	s0 =	rddreg [dreg:$0x7];
	s1 =	sadd.s32 $0x1, s1  }
0x15: {  	p0 =	sne.s32 s1, s0  }
.Ltmp1:
0x16: {  	_ = 	snop;
	(pc) =	sbr.rel @!p0 .LBB2_21-.Ltmp1, $3  }
0x17: {  	_ =	sdelay $0x1  }
0x18: {  	[sflag:s21] =	ssyncset.done $0x0  }
0x19: {  	[sflag:s21] =	ssyncadd.s32 $0xFFFFD000  }
.LBB2_1:
0x1a: {  	[dreg:$0x8] =	wrdreg s1  }
0x1b: {  	s0 =	rddreg [dreg:$0x5];
	s22 =	simm.s32 $0x5  }
0x1c: {  	[tilespmem:s4], [sflag:$0x5] =	stream.linear.gather [hbm4b:s0+s4], $0x400, $0x38;
	[tilespmem:$0x1E400] =	vst v63  }
0x1d: {  	_ =	swait.ge [sflag:s22], $0x400  }
0x1e: {  	[sflag:s22] =	ssyncset.done $0x0  }
0x1f: {  	s6 =	simm.s32 $0x400;
	s23 =	rddreg [dreg:$0x6];
	[sflag:s22] =	ssyncadd.s32 $0xFFFFFC00  }
0x20: {  	[tilespmem:s6], [sflag:$0x5] =	stream.linear.gather [hbm4b:s23+s4], $0xC000, $0x38;
	[tilespmem:$0x1E400] =	vst v63  }
0x21: {  	_ =	swait.ge [sflag:s22], $0xC000  }
0x22: {  	[sflag:s22] =	ssyncset.done $0x0  }
0x23: {  	[sflag:s22] =	ssyncadd.s32 $0xFFFF4000  }
0x24: {  	v3 =	vld [tilespmem:$0x0];
	_ =	sdelay $0x4  }
0x25: {  	v4 =	vshrl.u32 v3, $0x3  }
0x26: {  	v4 =	vmul.u32 $0x30, v4  }
0x27: {  	v3 =	vand.u32 $0x7, v3  }
0x28: {  	v3 =	vor.u32 v3, v4  }
0x29: {  	v4 =	vperm.xlane v3, v0;
	_ =	sdelay $0x1  }
0x2a: {  	v4 =	vadd.s32 v1, v4;
	_ =	sdelay $0x3  }
0x2b: {  	s24 =	simm.s32 $0xC400;
	v3 =	vperm.xlane v3, v2  }
0x2c: {  	[tilespmem:s24], [sflag:$0x1] =	stream.indirect_vreg.gather [hbm4b:s2+s4], $0x80, v4, vm0, $0xb8;
	[tilespmem:$0x1E400] =	vst v63  }
0x2d: {  	s25 =	simm.s32 $0xCC00;
	v3 =	vadd.s32 v1, v3  }
0x2e: {  	[tilespmem:s25], [sflag:$0x1] =	stream.indirect_vreg.gather [hbm4b:s8+s4], $0x80, v4, vm0, $0xb8;
	[tilespmem:$0x1E400] =	vst v63  }
0x2f: {  	s26 =	simm.s32 $0xD400  }
0x30: {  	[tilespmem:s26], [sflag:$0x1] =	stream.indirect_vreg.gather [hbm4b:s9+s4], $0x80, v4, vm0, $0xb8;
	[tilespmem:$0x1E400] =	vst v63  }
0x31: {  	s28 =	simm.s32 $0xDC00  }
0x32: {  	[tilespmem:s28], [sflag:$0x1] =	stream.indirect_vreg.gather [hbm4b:s2+s4], $0x80, v3, vm0, $0xb8;
	[tilespmem:$0x1E400] =	vst v63  }
0x33: {  	s29 =	simm.s32 $0xE400  }
0x34: {  	[tilespmem:s29], [sflag:$0x1] =	stream.indirect_vreg.gather [hbm4b:s8+s4], $0x80, v3, vm0, $0xb8;
	[tilespmem:$0x1E400] =	vst v63  }
0x35: {  	s1 =	simm.s32 $0xEC00  }
0x36: {  	[tilespmem:s1], [sflag:$0x1] =	stream.indirect_vreg.gather [hbm4b:s9+s4], $0x80, v3, vm0, $0xb8;
	[tilespmem:$0x1E400] =	vst v63  }
0x37: {  	v3 =	vld [tilespmem:$0x10];
	_ =	sdelay $0x4  }
0x38: {  	v61 =	vshrl.u32 v3, $0x3  }
0x39: {  	v4 =	vmul.u32 $0x30, v61  }
0x3a: {  	v3 =	vand.u32 $0x7, v3  }
0x3b: {  	v3 =	vor.u32 v3, v4  }
0x3c: {  	v4 =	vperm.xlane v3, v0;
	_ =	sdelay $0x1  }
0x3d: {  	v4 =	vadd.s32 v1, v4;
	_ =	sdelay $0x3  }
0x3e: {  	s6 =	simm.s32 $0xF400;
	v3 =	vperm.xlane v3, v2  }
0x3f: {  	[tilespmem:s6], [sflag:$0x1] =	stream.indirect_vreg.gather [hbm4b:s2+s4], $0x80, v4, vm0, $0xb8;
	[tilespmem:$0x1E400] =	vst v63  }
0x40: {  	s7 =	simm.s32 $0xFC00;
	v3 =	vadd.s32 v1, v3  }
0x41: {  	[tilespmem:s7], [sflag:$0x1] =	stream.indirect_vreg.gather [hbm4b:s8+s4], $0x80, v4, vm0, $0xb8;
	[tilespmem:$0x1E400] =	vst v63  }
0x42: {  	s10 =	simm.s32 $0x10400  }
0x43: {  	[tilespmem:s10], [sflag:$0x1] =	stream.indirect_vreg.gather [hbm4b:s9+s4], $0x80, v4, vm0, $0xb8;
	[tilespmem:$0x1E400] =	vst v63  }
0x44: {  	s11 =	simm.s32 $0x10C00  }
0x45: {  	[tilespmem:s11], [sflag:$0x1] =	stream.indirect_vreg.gather [hbm4b:s2+s4], $0x80, v3, vm0, $0xb8;
	[tilespmem:$0x1E400] =	vst v63  }
0x46: {  	s12 =	simm.s32 $0x11400  }
0x47: {  	[tilespmem:s12], [sflag:$0x1] =	stream.indirect_vreg.gather [hbm4b:s8+s4], $0x80, v3, vm0, $0xb8;
	[tilespmem:$0x1E400] =	vst v63  }
0x48: {  	s13 =	simm.s32 $0x11C00  }
0x49: {  	[tilespmem:s13], [sflag:$0x1] =	stream.indirect_vreg.gather [hbm4b:s9+s4], $0x80, v3, vm0, $0xb8;
	[tilespmem:$0x1E400] =	vst v63  }
0x4a: {  	v3 =	vld [tilespmem:$0x80];
	_ =	sdelay $0x4  }
0x4b: {  	v62 =	vshrl.u32 v3, $0x3  }
0x4c: {  	v4 =	vmul.u32 $0x30, v62  }
0x4d: {  	v3 =	vand.u32 $0x7, v3  }
0x4e: {  	v3 =	vor.u32 v3, v4  }
0x4f: {  	v4 =	vperm.xlane v3, v0;
	_ =	sdelay $0x1  }
0x50: {  	v4 =	vadd.s32 v1, v4;
	_ =	sdelay $0x3  }
0x51: {  	s14 =	simm.s32 $0x12400;
	v3 =	vperm.xlane v3, v2  }
0x52: {  	[tilespmem:s14], [sflag:$0x2] =	stream.indirect_vreg.gather [hbm4b:s2+s4], $0x80, v4, vm0, $0xb8;
	[tilespmem:$0x1E400] =	vst v63  }
0x53: {  	s15 =	simm.s32 $0x12C00;
	v3 =	vadd.s32 v1, v3  }
0x54: {  	[tilespmem:s15], [sflag:$0x2] =	stream.indirect_vreg.gather [hbm4b:s8+s4], $0x80, v4, vm0, $0xb8;
	[tilespmem:$0x1E400] =	vst v63  }
0x55: {  	s16 =	simm.s32 $0x13400  }
0x56: {  	[tilespmem:s16], [sflag:$0x2] =	stream.indirect_vreg.gather [hbm4b:s9+s4], $0x80, v4, vm0, $0xb8;
	[tilespmem:$0x1E400] =	vst v63  }
0x57: {  	s17 =	simm.s32 $0x13C00  }
0x58: {  	[tilespmem:s17], [sflag:$0x2] =	stream.indirect_vreg.gather [hbm4b:s2+s4], $0x80, v3, vm0, $0xb8;
	[tilespmem:$0x1E400] =	vst v63  }
0x59: {  	s18 =	simm.s32 $0x14400  }
0x5a: {  	[tilespmem:s18], [sflag:$0x2] =	stream.indirect_vreg.gather [hbm4b:s8+s4], $0x80, v3, vm0, $0xb8;
	[tilespmem:$0x1E400] =	vst v63  }
0x5b: {  	s22 =	simm.s32 $0x14C00  }
0x5c: {  	[tilespmem:s22], [sflag:$0x2] =	stream.indirect_vreg.gather [hbm4b:s9+s4], $0x80, v3, vm0, $0xb8;
	[tilespmem:$0x1E400] =	vst v63  }
0x5d: {  	v3 =	vld [tilespmem:$0x90];
	_ =	sdelay $0x4  }
0x5e: {  	v63 =	vshrl.u32 v3, $0x3  }
0x5f: {  	v4 =	vmul.u32 $0x30, v63  }
0x60: {  	v3 =	vand.u32 $0x7, v3  }
0x61: {  	v3 =	vor.u32 v3, v4  }
0x62: {  	v4 =	vperm.xlane v3, v0;
	_ =	sdelay $0x1  }
0x63: {  	v4 =	vadd.s32 v1, v4;
	_ =	sdelay $0x3  }
0x64: {  	s23 =	simm.s32 $0x15400;
	v3 =	vperm.xlane v3, v2  }
0x65: {  	[tilespmem:s23], [sflag:$0x2] =	stream.indirect_vreg.gather [hbm4b:s2+s4], $0x80, v4, vm0, $0xb8;
	[tilespmem:$0x1E400] =	vst v63  }
0x66: {  	s24 =	simm.s32 $0x15C00;
	v3 =	vadd.s32 v1, v3  }
0x67: {  	[tilespmem:s24], [sflag:$0x2] =	stream.indirect_vreg.gather [hbm4b:s8+s4], $0x80, v4, vm0, $0xb8;
	[tilespmem:$0x1E400] =	vst v63  }
0x68: {  	s25 =	simm.s32 $0x16400  }
0x69: {  	[tilespmem:s25], [sflag:$0x2] =	stream.indirect_vreg.gather [hbm4b:s9+s4], $0x80, v4, vm0, $0xb8;
	[tilespmem:$0x1E400] =	vst v63  }
0x6a: {  	s31 =	simm.s32 $0x1070;
	s26 =	simm.s32 $0x16C00  }
0x6b: {  	[tilespmem:s26], [sflag:$0x2] =	stream.indirect_vreg.gather [hbm4b:s2+s4], $0x80, v3, vm0, $0xb8;
	[tilespmem:$0x1E400] =	vst v63  }
0x6c: {  	s28 =	simm.s32 $0x17400;
	s29 =	simm.s32 $0x17C00;
	s6 =	simm.s32 $0x1C70  }
0x6d: {  	[tilespmem:s28], [sflag:$0x2] =	stream.indirect_vreg.gather [hbm4b:s8+s4], $0x80, v3, vm0, $0xb8;
	[tilespmem:$0x1E400] =	vst v63  }
0x6e: {  	s7 =	simm.s32 $0x2870;
	s10 =	simm.s32 $0x0;
	s23 =	simm.s32 $0x440  }
0x6f: {  	[tilespmem:s29], [sflag:$0x2] =	stream.indirect_vreg.gather [hbm4b:s9+s4], $0x80, v3, vm0, $0xb8;
	[tilespmem:$0x1E400] =	vst v63  }
.LBB2_2:
0x70: {  	s0 =	simm.s32 $0x1  }
0x71: {  	_ =	swait.ge [sflag:s0], $0x6000  }
0x72: {  	p0 =	seq.s32 s10, $0x0;
	[sflag:s0] =	ssyncset.done $0x0  }
0x73: {  	[sflag:s0] =	ssyncadd.s32 $0xFFFFA000;
	s0 =	simm.s32 @!p0 $0x3  }
0x74: {  	s11 =	sshll.u32 s10, $0xA;
	s22 =	sshll.u32 s10, $0x4;
	_ =	swait.ge @!p0 [sflag:s0], $0x3000  }
0x75: {  	p1 =	por $0x0, $0x0;
	s24 =	simm.s32 $0x18500;
	[sflag:s0] =	ssyncset.done @!p0 $0x0  }
0x76: {  	s25 =	smov.u32 s23;
	[sflag:s0] =	ssyncadd.s32 @!p0 $0xFFFFD000;
	s0 =	simm.s32 $0x0  }
.LBB2_3:
0x77: {  	s1 =	sshrl.u32 s0, $0x1;
	s12 =	simm.s32 $0x1  }
0x78: {  	s1 =	smul.u32 $0x6000, s1;
	s12 =	simm.s32 @!p1 $0x0  }
0x79: {  	s12 =	sshll.u32 s12, $0xB  }
0x7a: {  	s1 =	sor.u32 s12, s1  }
0x7b: {  	s1 =	sshra.s32 s1, $0x2  }
0x7c: {  	v6 =	vld [tilespmem:s25+$0x30];
	s13 =	sadd.s32 $0xC500, s1  }
0x7d: {  	v3 =	vld [tilespmem:s13+$0xFFFFFF70]  }
0x7e: {  	v16 =	vld [tilespmem:s25+$0xFFFFFFD0]  }
0x7f: {  	v14 =	vld [tilespmem:s25+$0xFFFFFFE0]  }
0x80: {  	v13 =	vld [tilespmem:s25+$0xFFFFFFF0]  }
0x81: {  	v12 =	vld [tilespmem:s25+$0x0]  }
0x82: {  	v4 =	vld [tilespmem:s13+$0xFFFFFF10];
	v3 =	vmul.f32 $2.771281240e+01, v3  }
0x83: {  	v5 =	vld [tilespmem:s13+$0xFFFFFF00]  }
0x84: {  	v7 =	vld [tilespmem:s13+$0xFFFFFF20];
	v3 =	vadd.f32 v3, v6  }
0x85: {  	v8 =	vld [tilespmem:s13+$0xFFFFFF30]  }
0x86: {  	v9 =	vld [tilespmem:s13+$0xFFFFFF40];
	[tilespmem:s24+$0xFFFFFF70] =	vst v3  }
0x87: {  	v3 =	vmul.f32 $2.771281240e+01, v4;
	v15 =	vld [tilespmem:s13+$0xFFFFFFF0]  }
0x88: {  	v10 =	vld [tilespmem:s13+$0xFFFFFF50]  }
0x89: {  	v11 =	vld [tilespmem:s13+$0xFFFFFF60];
	v7 =	vmul.f32 $2.771281240e+01, v7;
	v17 =	vadd.f32 v3, v16  }
0x8a: {  	v4 =	vld [tilespmem:s25+$0x10]  }
0x8b: {  	v7 =	vadd.f32 v7, v14;
	v3 =	vld [tilespmem:s25+$0x20];
	[tilespmem:s24+$0xFFFFFF10] =	vst v17  }
0x8c: {  	v8 =	vmul.f32 $2.771281240e+01, v8;
	v17 =	vld [tilespmem:s13+$0xFFFFFF90];
	v18 =	vmul.f32 $2.771281240e+01, v15  }
0x8d: {  	[tilespmem:s24+$0xFFFFFF20] =	vst v7;
	v15 =	vld [tilespmem:s25+$0xFFFFFFC0]  }
0x8e: {  	v8 =	vadd.f32 v8, v13;
	v7 =	vmul.f32 $2.771281240e+01, v9;
	v9 =	vadd.f32 v18, v6;
	v18 =	vld [tilespmem:s13+$0xFFFFFFA0]  }
0x8f: {  	v10 =	vmul.f32 $2.771281240e+01, v10  }
0x90: {  	s12 =	sadd.s32 $0x80, s25;
	v5 =	vmul.f32 $2.771281240e+01, v5;
	[tilespmem:s24+$0xFFFFFF30] =	vst v8;
	v7 =	vadd.f32 v7, v12  }
0x91: {  	v22 =	vld [tilespmem:s12+$0x30];
	v10 =	vadd.f32 v10, v4;
	[tilespmem:s24+$0xFFFFFFF0] =	vst v9;
	v9 =	vmul.f32 $2.771281240e+01, v11  }
0x92: {  	[tilespmem:s24+$0xFFFFFF40] =	vst v7;
	v11 =	vld [tilespmem:s13+$0xFFFFFFB0];
	v7 =	vmul.f32 $2.771281240e+01, v17;
	v5 =	vadd.f32 v5, v15  }
0x93: {  	[tilespmem:s24+$0xFFFFFF50] =	vst v10;
	v17 =	vld [tilespmem:s13+$0xFFFFFFC0];
	v9 =	vadd.f32 v9, v3;
	v10 =	vmul.f32 $2.771281240e+01, v18  }
0x94: {  	v7 =	vadd.f32 v7, v16;
	[tilespmem:s24+$0xFFFFFF00] =	vst v5;
	v5 =	vld [tilespmem:s13+$0xFFFFFFD0]  }
0x95: {  	v8 =	vld [tilespmem:s13+$0x70];
	[tilespmem:s24+$0xFFFFFF60] =	vst v9;
	v9 =	vadd.f32 v10, v14  }
0x96: {  	s26 =	sadd.s32 $0x400, s13;
	[tilespmem:s24+$0xFFFFFF90] =	vst v7;
	v10 =	vld [tilespmem:s13+$0xFFFFFFE0]  }
0x97: {  	v21 =	vld [tilespmem:s26+$0xFFFFFF00];
	v7 =	vmul.f32 $2.771281240e+01, v11;
	[tilespmem:s24+$0xFFFFFFA0] =	vst v9  }
0x98: {  	v9 =	vmul.f32 $2.771281240e+01, v17;
	v17 =	vld [tilespmem:s13+$0x20]  }
0x99: {  	v23 =	vld [tilespmem:s26+$0xFFFFFF10];
	v7 =	vadd.f32 v7, v13;
	v5 =	vmul.f32 $2.771281240e+01, v5  }
0x9a: {  	v24 =	vld [tilespmem:s26+$0xFFFFFF20];
	v8 =	vmul.f32 $2.771281240e+01, v8  }
0x9b: {  	v18 =	vld [tilespmem:s13+$0xFFFFFF80];
	[tilespmem:s24+$0xFFFFFFB0] =	vst v7;
	v5 =	vadd.f32 v5, v4;
	v7 =	vmul.f32 $2.771281240e+01, v10  }
0x9c: {  	v25 =	vld [tilespmem:s26+$0xFFFFFF30];
	v8 =	vadd.f32 v8, v6  }
0x9d: {  	v11 =	vld [tilespmem:s13+$0x10];
	[tilespmem:s24+$0xFFFFFFD0] =	vst v5;
	v5 =	vadd.f32 v7, v3;
	v7 =	vmul.f32 $2.771281240e+01, v17  }
0x9e: {  	v26 =	vld [tilespmem:s26+$0xFFFFFF40];
	[tilespmem:s24+$0x70] =	vst v8  }
0x9f: {  	v27 =	vld [tilespmem:s26+$0xFFFFFF60];
	[tilespmem:s24+$0xFFFFFFE0] =	vst v5;
	v5 =	vadd.f32 v7, v14  }
0xa0: {  	v18 =	vmul.f32 $2.771281240e+01, v18;
	v9 =	vadd.f32 v9, v12;
	v8 =	vld [tilespmem:s13+$0xF0]  }
0xa1: {  	[tilespmem:s24+$0x20] =	vst v5;
	v5 =	vld [tilespmem:s26+$0xFFFFFF70]  }
0xa2: {  	v10 =	vadd.f32 v18, v15;
	v18 =	vld [tilespmem:s13+$0x30];
	[tilespmem:s24+$0xFFFFFFC0] =	vst v9;
	v9 =	vmul.f32 $2.771281240e+01, v11  }
0xa3: {  	v11 =	vld [tilespmem:s13+$0x40]  }
0xa4: {  	[tilespmem:s24+$0xFFFFFF80] =	vst v10;
	v10 =	vld [tilespmem:s13+$0x50];
	v9 =	vadd.f32 v9, v16  }
0xa5: {  	v17 =	vld [tilespmem:s13+$0x0];
	v8 =	vmul.f32 $2.771281240e+01, v8  }
0xa6: {  	v7 =	vld [tilespmem:s13+$0x60];
	[tilespmem:s24+$0x10] =	vst v9;
	v5 =	vmul.f32 $2.771281240e+01, v5  }
0xa7: {  	v19 =	vld [tilespmem:s13+$0x90];
	v9 =	vmul.f32 $2.771281240e+01, v18;
	v6 =	vadd.f32 v8, v6  }
0xa8: {  	v18 =	vld [tilespmem:s26+$0xFFFFFF50];
	v11 =	vmul.f32 $2.771281240e+01, v11;
	v5 =	vadd.f32 v5, v22  }
0xa9: {  	s1 =	sadd.s32 $0x200, s24;
	v8 =	vadd.f32 v9, v13;
	v10 =	vmul.f32 $2.771281240e+01, v10;
	v9 =	vld [tilespmem:s12+$0xFFFFFFD0];
	[tilespmem:s24+$0xF0] =	vst v6  }
0xaa: {  	v20 =	vld [tilespmem:s13+$0xA0];
	v11 =	vadd.f32 v11, v12;
	[tilespmem:s1+$0xFFFFFF70] =	vst v5  }
0xab: {  	[tilespmem:s24+$0x30] =	vst v8;
	v6 =	vadd.f32 v10, v4;
	v7 =	vmul.f32 $2.771281240e+01, v7;
	v5 =	vmul.f32 $2.771281240e+01, v17;
	v17 =	vld [tilespmem:s26+$0xFFFFFFF0]  }
0xac: {  	v8 =	vld [tilespmem:s12+$0xFFFFFFE0];
	[tilespmem:s24+$0x40] =	vst v11;
	v11 =	vmul.f32 $2.771281240e+01, v23  }
0xad: {  	v19 =	vmul.f32 $2.771281240e+01, v19;
	[tilespmem:s24+$0x50] =	vst v6;
	v7 =	vadd.f32 v7, v3;
	v6 =	vld [tilespmem:s12+$0x0]  }
0xae: {  	v60 =	vadd.f32 v11, v9;
	v10 =	vadd.f32 v5, v15;
	v5 =	vld [tilespmem:s12+$0xFFFFFFF0]  }
0xaf: {  	v23 =	vmul.f32 $2.771281240e+01, v24;
	v11 =	vld [tilespmem:s12+$0x10];
	v16 =	vadd.f32 v19, v16;
	[tilespmem:s24+$0x60] =	vst v7  }
0xb0: {  	v7 =	vld [tilespmem:s12+$0xFFFFFFC0];
	[tilespmem:s1+$0xFFFFFF10] =	vst v60;
	v17 =	vmul.f32 $2.771281240e+01, v17  }
0xb1: {  	v19 =	vmul.f32 $2.771281240e+01, v25;
	v23 =	vadd.f32 v23, v8;
	[tilespmem:s24+$0x90] =	vst v16;
	v24 =	vld [tilespmem:s26+$0xFFFFFF90]  }
0xb2: {  	v16 =	vmul.f32 $2.771281240e+01, v26;
	[tilespmem:s24+$0x0] =	vst v10;
	v10 =	vld [tilespmem:s12+$0x20];
	v17 =	vadd.f32 v17, v22  }
0xb3: {  	v18 =	vmul.f32 $2.771281240e+01, v18;
	[tilespmem:s1+$0xFFFFFF20] =	vst v23;
	v23 =	vld [tilespmem:s13+$0x80];
	v19 =	vadd.f32 v19, v5  }
0xb4: {  	v21 =	vmul.f32 $2.771281240e+01, v21;
	v16 =	vadd.f32 v16, v6;
	[tilespmem:s1+$0xFFFFFFF0] =	vst v17;
	v17 =	vld [tilespmem:s26+$0xFFFFFFA0]  }
0xb5: {  	v61 =	vmul.f32 $2.771281240e+01, v27;
	v18 =	vadd.f32 v18, v11;
	[tilespmem:s1+$0xFFFFFF30] =	vst v19;
	v19 =	vld [tilespmem:s26+$0x70]  }
0xb6: {  	v20 =	vmul.f32 $2.771281240e+01, v20;
	v21 =	vadd.f32 v21, v7;
	[tilespmem:s1+$0xFFFFFF40] =	vst v16;
	v16 =	vld [tilespmem:s26+$0xFFFFFFB0]  }
0xb7: {  	[tilespmem:s1+$0xFFFFFF50] =	vst v18;
	v18 =	vld [tilespmem:s26+$0xFFFFFFC0];
	v24 =	vmul.f32 $2.771281240e+01, v24;
	v25 =	vadd.f32 v61, v10  }
0xb8: {  	v14 =	vadd.f32 v20, v14;
	[tilespmem:s1+$0xFFFFFF00] =	vst v21;
	v20 =	vld [tilespmem:s26+$0xFFFFFFD0];
	v21 =	vmul.f32 $2.771281240e+01, v23  }
0xb9: {  	v24 =	vadd.f32 v24, v9;
	v23 =	vld [tilespmem:s26+$0xFFFFFF80];
	[tilespmem:s1+$0xFFFFFF60] =	vst v25;
	v17 =	vmul.f32 $2.771281240e+01, v17  }
0xba: {  	[tilespmem:s24+$0xA0] =	vst v14;
	v14 =	vld [tilespmem:s26+$0xFFFFFFE0];
	v15 =	vadd.f32 v21, v15;
	v19 =	vmul.f32 $2.771281240e+01, v19  }
0xbb: {  	[tilespmem:s1+$0xFFFFFF90] =	vst v24;
	v21 =	vld [tilespmem:s13+$0xB0];
	v16 =	vmul.f32 $2.771281240e+01, v16;
	v17 =	vadd.f32 v17, v8  }
0xbc: {  	v18 =	vmul.f32 $2.771281240e+01, v18;
	v24 =	vld [tilespmem:s26+$0x10];
	[tilespmem:s24+$0x80] =	vst v15;
	v19 =	vadd.f32 v19, v22  }
0xbd: {  	v15 =	vadd.f32 v16, v5;
	v16 =	vmul.f32 $2.771281240e+01, v20;
	[tilespmem:s1+$0xFFFFFFA0] =	vst v17;
	v17 =	vld [tilespmem:s13+$0xC0]  }
0xbe: {  	v18 =	vadd.f32 v18, v6;
	v20 =	vmul.f32 $2.771281240e+01, v23;
	v23 =	vld [tilespmem:s26+$0x20];
	[tilespmem:s1+$0x70] =	vst v19  }
0xbf: {  	v14 =	vmul.f32 $2.771281240e+01, v14;
	[tilespmem:s1+$0xFFFFFFB0] =	vst v15;
	v15 =	vadd.f32 v16, v11;
	v16 =	vld [tilespmem:s26+$0xF0]  }
0xc0: {  	[tilespmem:s1+$0xFFFFFFC0] =	vst v18;
	v18 =	vmul.f32 $2.771281240e+01, v21;
	v19 =	vadd.f32 v20, v7;
	v20 =	vld [tilespmem:s26+$0x30]  }
0xc1: {  	v62 =	vld [tilespmem:s26+$0x40];
	v21 =	vmul.f32 $2.771281240e+01, v24;
	v14 =	vadd.f32 v14, v10;
	[tilespmem:s1+$0xFFFFFFD0] =	vst v15  }
0xc2: {  	v18 =	vadd.f32 v18, v13;
	[tilespmem:s1+$0xFFFFFF80] =	vst v19;
	v15 =	vld [tilespmem:s26+$0x50];
	v17 =	vmul.f32 $2.771281240e+01, v17  }
0xc3: {  	v21 =	vadd.f32 v21, v9;
	[tilespmem:s1+$0xFFFFFFE0] =	vst v14;
	v19 =	vld [tilespmem:s26+$0x0];
	v23 =	vmul.f32 $2.771281240e+01, v23  }
0xc4: {  	[tilespmem:s24+$0xB0] =	vst v18;
	v13 =	vld [tilespmem:s26+$0x60];
	v63 =	vmul.f32 $2.771281240e+01, v16;
	v12 =	vadd.f32 v17, v12  }
0xc5: {  	[tilespmem:s1+$0x10] =	vst v21;
	v18 =	vmul.f32 $2.771281240e+01, v20;
	v16 =	vld [tilespmem:s13+$0xD0];
	v17 =	vadd.f32 v23, v8  }
0xc6: {  	v21 =	vmul.f32 $2.771281240e+01, v62;
	v14 =	vld [tilespmem:s26+$0x90];
	v22 =	vadd.f32 v63, v22;
	[tilespmem:s24+$0xC0] =	vst v12  }
0xc7: {  	v12 =	vadd.f32 v18, v5;
	v18 =	vmul.f32 $2.771281240e+01, v15;
	[tilespmem:s1+$0x20] =	vst v17;
	v17 =	vld [tilespmem:s13+$0xE0]  }
0xc8: {  	s14 =	simm.s32 $0x8;
	s15 =	sadd.s32 $0x400, s26;
	v20 =	vmul.f32 $2.771281240e+01, v19;
	v19 =	vadd.f32 v21, v6;
	s13 =	smov.u32 s24;
	v15 =	vld [tilespmem:s26+$0xA0];
	[tilespmem:s1+$0xF0] =	vst v22  }
.LBB2_4:
0xc9: {  	v21 =	vld [tilespmem:s15+$0xFFFFFF70];
	s14 =	sadd.s32 $0x8, s14;
	[tilespmem:s1+$0x30] =	vst v12;
	v18 =	vadd.f32 v18, v11;
	v13 =	vmul.f32 $2.771281240e+01, v13  }
0xca: {  	s12 =	sadd.s32 $0x80, s12;
	v22 =	vld [tilespmem:s15+$0xFFFFFF00];
	p2 =	slt.u32 s14, $0x28;
	v20 =	vadd.f32 v20, v7;
	[tilespmem:s1+$0x40] =	vst v19;
	v16 =	vmul.f32 $2.771281240e+01, v16  }
0xcb: {  	v12 =	vld [tilespmem:s12+$0x30];
	v14 =	vmul.f32 $2.771281240e+01, v14;
	[tilespmem:s1+$0x50] =	vst v18;
	v13 =	vadd.f32 v13, v10  }
0xcc: {  	v18 =	vld [tilespmem:s15+$0xFFFFFF10];
	[tilespmem:s1+$0x0] =	vst v20;
	v16 =	vadd.f32 v16, v4;
	v17 =	vmul.f32 $2.771281240e+01, v17;
	v4 =	vmov v11  }
0xcd: {  	v11 =	vld [tilespmem:s15+$0xFFFFFF20];
	v9 =	vadd.f32 v14, v9;
	v14 =	vmul.f32 $2.771281240e+01, v15;
	[tilespmem:s1+$0x60] =	vst v13  }
0xce: {  	v13 =	vld [tilespmem:s15+$0xFFFFFF30];
	v15 =	vmul.f32 $2.771281240e+01, v21;
	[tilespmem:s13+$0xD0] =	vst v16;
	v16 =	vadd.f32 v17, v3;
	v3 =	vmov v10  }
0xcf: {  	v17 =	vmul.f32 $2.771281240e+01, v22;
	v10 =	vld [tilespmem:s15+$0xFFFFFF40];
	[tilespmem:s1+$0x90] =	vst v9;
	v8 =	vadd.f32 v14, v8  }
0xd0: {  	v14 =	vld [tilespmem:s15+$0xFFFFFF50];
	v15 =	vadd.f32 v15, v12;
	[tilespmem:s13+$0xE0] =	vst v16;
	s13 =	smov.u32 s1  }
0xd1: {  	s1 =	sadd.s32 $0x200, s1;
	v16 =	vmul.f32 $2.771281240e+01, v18;
	v18 =	vld [tilespmem:s15+$0xFFFFFF60];
	[tilespmem:s13+$0xA0] =	vst v8  }
0xd2: {  	v9 =	vld [tilespmem:s12+$0xFFFFFFD0];
	v19 =	vmul.f32 $2.771281240e+01, v11;
	[tilespmem:s1+$0xFFFFFF70] =	vst v15  }
0xd3: {  	v13 =	vmul.f32 $2.771281240e+01, v13;
	v15 =	vld [tilespmem:s15+$0xFFFFFFF0]  }
0xd4: {  	v8 =	vld [tilespmem:s12+$0xFFFFFFE0];
	v20 =	vmul.f32 $2.771281240e+01, v10  }
0xd5: {  	v21 =	vld [tilespmem:s12+$0xFFFFFFF0];
	v14 =	vmul.f32 $2.771281240e+01, v14  }
0xd6: {  	v22 =	vld [tilespmem:s12+$0x0];
	v18 =	vmul.f32 $2.771281240e+01, v18  }
0xd7: {  	v16 =	vadd.f32 v16, v9;
	v11 =	vld [tilespmem:s12+$0x10]  }
0xd8: {  	v10 =	vld [tilespmem:s12+$0x20];
	v15 =	vmul.f32 $2.771281240e+01, v15  }
0xd9: {  	v23 =	vld [tilespmem:s12+$0xFFFFFFC0];
	[tilespmem:s1+$0xFFFFFF10] =	vst v16;
	v16 =	vadd.f32 v19, v8  }
0xda: {  	v19 =	vld [tilespmem:s15+$0xFFFFFF90];
	v13 =	vadd.f32 v13, v21;
	v15 =	vadd.f32 v15, v12  }
0xdb: {  	[tilespmem:s1+$0xFFFFFF20] =	vst v16;
	v16 =	vadd.f32 v20, v22;
	v20 =	vld [tilespmem:s26+$0x80]  }
0xdc: {  	v24 =	vld [tilespmem:s15+$0xFFFFFFA0];
	v14 =	vadd.f32 v14, v11;
	[tilespmem:s1+$0xFFFFFFF0] =	vst v15  }
0xdd: {  	[tilespmem:s1+$0xFFFFFF30] =	vst v13;
	v13 =	vadd.f32 v18, v10;
	v15 =	vld [tilespmem:s15+$0x70]  }
0xde: {  	v17 =	vadd.f32 v17, v23;
	v18 =	vld [tilespmem:s15+$0xFFFFFFB0];
	[tilespmem:s1+$0xFFFFFF40] =	vst v16  }
0xdf: {  	v16 =	vmul.f32 $2.771281240e+01, v19;
	v19 =	vld [tilespmem:s15+$0xFFFFFFC0];
	[tilespmem:s1+$0xFFFFFF50] =	vst v14  }
0xe0: {  	[tilespmem:s1+$0xFFFFFF00] =	vst v17;
	v14 =	vld [tilespmem:s15+$0xFFFFFFD0];
	v17 =	vmul.f32 $2.771281240e+01, v20  }
0xe1: {  	v20 =	vld [tilespmem:s15+$0xFFFFFF80];
	v16 =	vadd.f32 v16, v9;
	v24 =	vmul.f32 $2.771281240e+01, v24;
	[tilespmem:s1+$0xFFFFFF60] =	vst v13  }
0xe2: {  	v13 =	vld [tilespmem:s15+$0xFFFFFFE0];
	v15 =	vmul.f32 $2.771281240e+01, v15;
	v17 =	vadd.f32 v17, v7;
	v7 =	vmov v23  }
0xe3: {  	[tilespmem:s1+$0xFFFFFF90] =	vst v16;
	v16 =	vadd.f32 v24, v8;
	v18 =	vmul.f32 $2.771281240e+01, v18;
	v23 =	vld [tilespmem:s26+$0xB0]  }
0xe4: {  	v24 =	vld [tilespmem:s15+$0x10];
	v19 =	vmul.f32 $2.771281240e+01, v19;
	v15 =	vadd.f32 v15, v12;
	[tilespmem:s13+$0x80] =	vst v17  }
0xe5: {  	[tilespmem:s1+$0xFFFFFFA0] =	vst v16;
	v16 =	vadd.f32 v18, v21;
	v14 =	vmul.f32 $2.771281240e+01, v14;
	v17 =	vld [tilespmem:s26+$0xC0]  }
0xe6: {  	v18 =	vmul.f32 $2.771281240e+01, v20;
	v20 =	vld [tilespmem:s15+$0x20];
	v19 =	vadd.f32 v19, v22;
	[tilespmem:s1+$0x70] =	vst v15  }
0xe7: {  	[tilespmem:s1+$0xFFFFFFB0] =	vst v16;
	v14 =	vadd.f32 v14, v11;
	v13 =	vmul.f32 $2.771281240e+01, v13;
	v15 =	vld [tilespmem:s15+$0xF0]  }
0xe8: {  	v16 =	vadd.f32 v18, v7;
	v18 =	vld [tilespmem:s15+$0x30];
	[tilespmem:s1+$0xFFFFFFC0] =	vst v19;
	v19 =	vmul.f32 $2.771281240e+01, v23  }
0xe9: {  	v23 =	vmul.f32 $2.771281240e+01, v24;
	v24 =	vld [tilespmem:s15+$0x40];
	[tilespmem:s1+$0xFFFFFFD0] =	vst v14;
	v13 =	vadd.f32 v13, v10  }
0xea: {  	[tilespmem:s1+$0xFFFFFF80] =	vst v16;
	v25 =	vld [tilespmem:s15+$0x50];
	v14 =	vadd.f32 v19, v5;
	v16 =	vmul.f32 $2.771281240e+01, v17;
	v5 =	vmov v21  }
0xeb: {  	v19 =	vld [tilespmem:s15+$0x0];
	v17 =	vadd.f32 v23, v9;
	v20 =	vmul.f32 $2.771281240e+01, v20;
	[tilespmem:s1+$0xFFFFFFE0] =	vst v13  }
.Ltmp2:
0xec: {  	v13 =	vld [tilespmem:s15+$0x60];
	v15 =	vmul.f32 $2.771281240e+01, v15;
	[tilespmem:s13+$0xB0] =	vst v14;
	v21 =	vadd.f32 v16, v6;
	v6 =	vmov v22;
	(pc) =	sbr.rel @p2 .LBB2_4-.Ltmp2, $4  }
0xed: {  	[tilespmem:s1+$0x10] =	vst v17;
	v17 =	vadd.f32 v20, v8;
	v18 =	vmul.f32 $2.771281240e+01, v18;
	v16 =	vld [tilespmem:s26+$0xD0]  }
0xee: {  	v14 =	vld [tilespmem:s15+$0x90];
	v22 =	vmul.f32 $2.771281240e+01, v24;
	v23 =	vadd.f32 v15, v12;
	[tilespmem:s13+$0xC0] =	vst v21  }
0xef: {  	[tilespmem:s1+$0x20] =	vst v17;
	v12 =	vadd.f32 v18, v5;
	v18 =	vmul.f32 $2.771281240e+01, v25;
	v17 =	vld [tilespmem:s26+$0xE0];
	s26 =	smov.u32 s15  }
0xf0: {  	s15 =	sadd.s32 $0x400, s15;
	v20 =	vmul.f32 $2.771281240e+01, v19;
	v15 =	vld [tilespmem:s26+$0xA0];
	v19 =	vadd.f32 v22, v6;
	[tilespmem:s1+$0xF0] =	vst v23  }
0xf1: {  	_ = 	snop  }
0xf2: {  	v20 =	vadd.f32 v20, v7;
	_ =	sdelay $0x1  }
0xf3: {  	v13 =	vmul.f32 $2.771281240e+01, v13;
	[tilespmem:s1+$0x0] =	vst v20  }
0xf4: {  	[tilespmem:s1+$0x30] =	vst v12;
	v50 =	vadd.f32 v18, v11;
	v51 =	vld [tilespmem:s26+$0x80]  }
0xf5: {  	[tilespmem:s1+$0x40] =	vst v19;
	v16 =	vmul.f32 $2.771281240e+01, v16;
	v52 =	vld [tilespmem:s26+$0xB0];
	v13 =	vadd.f32 v13, v10  }
0xf6: {  	v14 =	vmul.f32 $2.771281240e+01, v14;
	[tilespmem:s1+$0x50] =	vst v50;
	v53 =	vld [tilespmem:s26+$0xC0]  }
0xf7: {  	v4 =	vadd.f32 v16, v4;
	v54 =	vmul.f32 $2.771281240e+01, v17;
	v55 =	vld [tilespmem:s26+$0xD0];
	[tilespmem:s1+$0x60] =	vst v13  }
0xf8: {  	v9 =	vadd.f32 v14, v9;
	v56 =	vmul.f32 $2.771281240e+01, v15;
	v57 =	vld [tilespmem:s26+$0xE0]  }
0xf9: {  	[tilespmem:s13+$0xD0] =	vst v4;
	v3 =	vadd.f32 v54, v3;
	v58 =	vmul.f32 $2.771281240e+01, v51  }
0xfa: {  	[tilespmem:s1+$0x90] =	vst v9;
	v8 =	vadd.f32 v56, v8;
	v59 =	vmul.f32 $2.771281240e+01, v52  }
0xfb: {  	s0 =	sadd.s32 $0x1, s0;
	[tilespmem:s13+$0xE0] =	vst v3;
	v60 =	vmul.f32 $2.771281240e+01, v53;
	v3 =	vadd.f32 v58, v7  }
0xfc: {  	p2 =	sne.s32 s0, $0x4;
	[tilespmem:s1+$0xA0] =	vst v8;
	v5 =	vadd.f32 v59, v5;
	v61 =	vmul.f32 $2.771281240e+01, v55  }
.Ltmp3:
0xfd: {  	v62 =	vmul.f32 $2.771281240e+01, v57;
	[tilespmem:s1+$0x80] =	vst v3;
	v3 =	vadd.f32 v60, v6;
	(pc) =	sbr.rel @p2 .LBB2_3-.Ltmp3, $4  }
0xfe: {  	[tilespmem:s1+$0xB0] =	vst v5;
	v63 =	vadd.f32 v61, v11  }
0xff: {  	[tilespmem:s1+$0xC0] =	vst v3;
	v3 =	vadd.f32 v62, v10  }
0x100: {  	[tilespmem:s1+$0xD0] =	vst v63  }
0x101: {  	p1 =	por !p1, !p1;
	s25 =	sadd.s32 $0x300, s25;
	s24 =	sadd.s32 $0xC00, s24;
	[tilespmem:s1+$0xE0] =	vst v3  }
0x102: {  	s0 =	sadd.s32 s5, s22  }
0x103: {  	s0 =	smul.u32 $0x180, s0;
	_ =	sdelay $0x1  }
0x104: {  	s0 =	sadd.s32 s3, s0  }
0x105: {  	[hbm4b:s0+s4] =	stream.linear.scatter [tilespmem:s30], [sflag:$0x3], $0x3000, $0x38;
	[tilespmem:$0x1E400] =	vst v63  }
0x106: {  	s25 =	sor.u32 $0x4, s22;
	s26 =	simm.s32 $0x0;
	s0 =	simm.s32 @!p0 $0x4  }
0x107: {  	s28 =	simm.s32 $0x1B500;
	s29 =	simm.s32 $0x10;
	_ =	swait.ge @!p0 [sflag:s0], $0x3000  }
0x108: {  	s24 =	smov.u32 s31;
	s30 =	simm.s32 $0x0;
	[sflag:s0] =	ssyncset.done @!p0 $0x0  }
0x109: {  	[sflag:s0] =	ssyncadd.s32 @!p0 $0xFFFFD000;
	p0 =	por $0x0, $0x0;
	s0 =	simm.s32 $0x0  }
.LBB2_7:
0x10a: {  	s1 =	sshrl.u32 s0, $0x1;
	s12 =	simm.s32 $0x1  }
0x10b: {  	s1 =	smul.u32 $0x6000, s1;
	s12 =	simm.s32 @!p0 $0x0  }
0x10c: {  	s12 =	sshll.u32 s12, $0xB  }
0x10d: {  	s1 =	sor.u32 s12, s1  }
0x10e: {  	s1 =	sshra.s32 s1, $0x2  }
0x10f: {  	v6 =	vld [tilespmem:s24+$0x0];
	s1 =	sadd.s32 $0xF470, s1  }
0x110: {  	v3 =	vld [tilespmem:s1+$0x0]  }
0x111: {  	v7 =	vld [tilespmem:s24+$0xFFFFFFA0]  }
0x112: {  	v14 =	vld [tilespmem:s24+$0xFFFFFFB0]  }
0x113: {  	v13 =	vld [tilespmem:s24+$0xFFFFFFC0]  }
0x114: {  	s17 =	sshrl.u32 s29, $0x3;
	v12 =	vld [tilespmem:s24+$0xFFFFFFD0]  }
0x115: {  	s13 =	sand.u32 $0x7, s26;
	s12 =	smul.u32 $0x6000, s17;
	v4 =	vld [tilespmem:s1+$0xFFFFFFA0];
	v3 =	vmul.f32 $2.771281240e+01, v3  }
0x116: {  	s13 =	sshll.u32 s13, $0x9;
	v5 =	vld [tilespmem:s1+$0xFFFFFF90]  }
0x117: {  	s13 =	sor.u32 s13, s12;
	v8 =	vld [tilespmem:s1+$0xFFFFFFB0];
	v3 =	vadd.f32 v3, v6  }
0x118: {  	v9 =	vld [tilespmem:s1+$0xFFFFFFC0];
	s13 =	sshra.s32 s13, $0x2  }
0x119: {  	v10 =	vld [tilespmem:s1+$0xFFFFFFD0];
	s15 =	sadd.s32 $0xC580, s13;
	[tilespmem:s28+$0xFFFFFF70] =	vst v3  }
0x11a: {  	v3 =	vmul.f32 $2.771281240e+01, v4;
	v15 =	vld [tilespmem:s15+$0xFFFFFF70]  }
0x11b: {  	v11 =	vld [tilespmem:s1+$0xFFFFFFE0]  }
0x11c: {  	v16 =	vld [tilespmem:s1+$0xFFFFFFF0];
	v8 =	vmul.f32 $2.771281240e+01, v8;
	v17 =	vadd.f32 v3, v7  }
0x11d: {  	v4 =	vld [tilespmem:s24+$0xFFFFFFE0]  }
0x11e: {  	v8 =	vadd.f32 v8, v14;
	v3 =	vld [tilespmem:s24+$0xFFFFFFF0];
	[tilespmem:s28+$0xFFFFFF10] =	vst v17  }
0x11f: {  	v9 =	vmul.f32 $2.771281240e+01, v9;
	v17 =	vld [tilespmem:s15+$0xFFFFFF10];
	v18 =	vmul.f32 $2.771281240e+01, v15  }
0x120: {  	[tilespmem:s28+$0xFFFFFF20] =	vst v8;
	v15 =	vld [tilespmem:s24+$0xFFFFFF90]  }
0x121: {  	v9 =	vadd.f32 v9, v13;
	v8 =	vmul.f32 $2.771281240e+01, v10;
	v10 =	vadd.f32 v18, v6;
	v18 =	vld [tilespmem:s15+$0xFFFFFF20]  }
0x122: {  	v11 =	vmul.f32 $2.771281240e+01, v11  }
0x123: {  	s18 =	sand.u32 $0x3, s30;
	s16 =	sadd.s32 $0x400, s1;
	v5 =	vmul.f32 $2.771281240e+01, v5;
	[tilespmem:s28+$0xFFFFFF30] =	vst v9;
	v8 =	vadd.f32 v8, v12  }
0x124: {  	s13 =	sshll.u32 s18, $0xA;
	v21 =	vld [tilespmem:s16+$0xFFFFFF90];
	v11 =	vadd.f32 v11, v4;
	[tilespmem:s28+$0xFFFFFFF0] =	vst v10;
	v10 =	vmul.f32 $2.771281240e+01, v16  }
0x125: {  	s12 =	sor.u32 s13, s12;
	[tilespmem:s28+$0xFFFFFF40] =	vst v8;
	v16 =	vld [tilespmem:s15+$0xFFFFFF30];
	v8 =	vmul.f32 $2.771281240e+01, v17;
	v5 =	vadd.f32 v5, v15  }
0x126: {  	s12 =	sshra.s32 s12, $0x2;
	[tilespmem:s28+$0xFFFFFF50] =	vst v11;
	v17 =	vld [tilespmem:s15+$0xFFFFFF40];
	v10 =	vadd.f32 v10, v3;
	v11 =	vmul.f32 $2.771281240e+01, v18  }
0x127: {  	s14 =	sadd.s32 $0xC570, s12;
	v8 =	vadd.f32 v8, v7;
	[tilespmem:s28+$0xFFFFFF00] =	vst v5;
	v5 =	vld [tilespmem:s15+$0xFFFFFF50]  }
0x128: {  	v9 =	vld [tilespmem:s14+$0x0];
	[tilespmem:s28+$0xFFFFFF60] =	vst v10;
	v10 =	vadd.f32 v11, v14  }
0x129: {  	[tilespmem:s28+$0xFFFFFF90] =	vst v8;
	v11 =	vld [tilespmem:s15+$0xFFFFFF60]  }
0x12a: {  	v22 =	vld [tilespmem:s16+$0xFFFFFFA0];
	v8 =	vmul.f32 $2.771281240e+01, v16;
	[tilespmem:s28+$0xFFFFFFA0] =	vst v10  }
0x12b: {  	v10 =	vmul.f32 $2.771281240e+01, v17;
	v17 =	vld [tilespmem:s14+$0xFFFFFFB0]  }
0x12c: {  	v18 =	vld [tilespmem:s15+$0xFFFFFF00];
	v8 =	vadd.f32 v8, v13;
	v5 =	vmul.f32 $2.771281240e+01, v5  }
0x12d: {  	v23 =	vld [tilespmem:s16+$0xFFFFFFB0];
	v9 =	vmul.f32 $2.771281240e+01, v9  }
0x12e: {  	v24 =	vld [tilespmem:s16+$0xFFFFFFC0];
	[tilespmem:s28+$0xFFFFFFB0] =	vst v8;
	v5 =	vadd.f32 v5, v4;
	v8 =	vmul.f32 $2.771281240e+01, v11  }
0x12f: {  	v25 =	vld [tilespmem:s16+$0xFFFFFFD0];
	v9 =	vadd.f32 v9, v6  }
0x130: {  	v16 =	vld [tilespmem:s14+$0xFFFFFFA0];
	[tilespmem:s28+$0xFFFFFFD0] =	vst v5;
	v5 =	vadd.f32 v8, v3;
	v8 =	vmul.f32 $2.771281240e+01, v17  }
0x131: {  	v26 =	vld [tilespmem:s16+$0xFFFFFFE0];
	v18 =	vmul.f32 $2.771281240e+01, v18;
	[tilespmem:s28+$0x70] =	vst v9  }
0x132: {  	v9 =	vld [tilespmem:s15+$0x70];
	[tilespmem:s28+$0xFFFFFFE0] =	vst v5;
	v5 =	vadd.f32 v8, v14  }
0x133: {  	v10 =	vadd.f32 v10, v12;
	v11 =	vadd.f32 v18, v15;
	v18 =	vld [tilespmem:s14+$0xFFFFFFC0]  }
0x134: {  	s12 =	sadd.s32 $0x80, s24;
	[tilespmem:s28+$0x20] =	vst v5;
	v5 =	vld [tilespmem:s16+$0x0]  }
0x135: {  	[tilespmem:s28+$0xFFFFFFC0] =	vst v10;
	v10 =	vmul.f32 $2.771281240e+01, v16;
	v16 =	vld [tilespmem:s12+$0x0]  }
0x136: {  	[tilespmem:s28+$0xFFFFFF80] =	vst v11;
	v11 =	vld [tilespmem:s14+$0xFFFFFFE0]  }
0x137: {  	v19 =	vld [tilespmem:s14+$0xFFFFFFD0]  }
0x138: {  	v27 =	vld [tilespmem:s16+$0xFFFFFFF0];
	v10 =	vadd.f32 v10, v7;
	v9 =	vmul.f32 $2.771281240e+01, v9  }
0x139: {  	v17 =	vld [tilespmem:s14+$0xFFFFFF90];
	v5 =	vmul.f32 $2.771281240e+01, v5  }
0x13a: {  	v8 =	vld [tilespmem:s14+$0xFFFFFFF0];
	[tilespmem:s28+$0x10] =	vst v10;
	v18 =	vmul.f32 $2.771281240e+01, v18;
	v6 =	vadd.f32 v9, v6  }
0x13b: {  	v10 =	vld [tilespmem:s15+$0x10];
	v11 =	vmul.f32 $2.771281240e+01, v11;
	v5 =	vadd.f32 v5, v16  }
0x13c: {  	s1 =	sadd.s32 $0x200, s28;
	v19 =	vmul.f32 $2.771281240e+01, v19;
	v20 =	vld [tilespmem:s15+$0x20];
	v18 =	vadd.f32 v18, v13;
	[tilespmem:s28+$0xF0] =	vst v6  }
0x13d: {  	s13 =	sadd.s32 $0x400, s15;
	v9 =	vld [tilespmem:s12+$0xFFFFFFA0];
	v6 =	vadd.f32 v11, v4;
	[tilespmem:s1+$0xFFFFFF70] =	vst v5  }
0x13e: {  	[tilespmem:s28+$0x30] =	vst v18;
	v5 =	vmul.f32 $2.771281240e+01, v17;
	v17 =	vadd.f32 v19, v12;
	v19 =	vld [tilespmem:s13+$0xFFFFFF70]  }
0x13f: {  	v11 =	vmul.f32 $2.771281240e+01, v8;
	v8 =	vld [tilespmem:s12+$0xFFFFFFB0];
	[tilespmem:s28+$0x50] =	vst v6  }
0x140: {  	v6 =	vld [tilespmem:s12+$0xFFFFFFD0];
	v18 =	vadd.f32 v5, v15;
	[tilespmem:s28+$0x40] =	vst v17;
	v17 =	vmul.f32 $2.771281240e+01, v22  }
0x141: {  	v10 =	vmul.f32 $2.771281240e+01, v10;
	v5 =	vld [tilespmem:s12+$0xFFFFFFC0];
	v22 =	vadd.f32 v11, v3  }
0x142: {  	v11 =	vld [tilespmem:s12+$0xFFFFFFE0];
	[tilespmem:s28+$0x0] =	vst v18;
	v18 =	vmul.f32 $2.771281240e+01, v23;
	v17 =	vadd.f32 v17, v9  }
0x143: {  	v23 =	vadd.f32 v10, v7;
	[tilespmem:s28+$0x60] =	vst v22;
	v10 =	vld [tilespmem:s12+$0xFFFFFFF0];
	v19 =	vmul.f32 $2.771281240e+01, v19  }
0x144: {  	v22 =	vmul.f32 $2.771281240e+01, v24;
	v7 =	vld [tilespmem:s12+$0xFFFFFF90];
	[tilespmem:s1+$0xFFFFFF10] =	vst v17;
	v17 =	vadd.f32 v18, v8  }
0x145: {  	[tilespmem:s28+$0x90] =	vst v23;
	v18 =	vmul.f32 $2.771281240e+01, v25;
	v23 =	vld [tilespmem:s13+$0xFFFFFF10];
	v19 =	vadd.f32 v19, v16  }
0x146: {  	v60 =	vmul.f32 $2.771281240e+01, v26;
	v22 =	vadd.f32 v22, v5;
	[tilespmem:s1+$0xFFFFFF20] =	vst v17;
	v17 =	vld [tilespmem:s15+$0x0]  }
0x147: {  	v21 =	vmul.f32 $2.771281240e+01, v21;
	s14 =	sadd.s32 $0x400, s14;
	v18 =	vadd.f32 v18, v6;
	[tilespmem:s1+$0xFFFFFFF0] =	vst v19;
	v19 =	vld [tilespmem:s13+$0xFFFFFF20]  }
0x148: {  	v61 =	vmul.f32 $2.771281240e+01, v27;
	v24 =	vadd.f32 v60, v11;
	[tilespmem:s1+$0xFFFFFF30] =	vst v22;
	v22 =	vld [tilespmem:s14+$0x0]  }
0x149: {  	v20 =	vmul.f32 $2.771281240e+01, v20;
	v21 =	vadd.f32 v21, v7;
	[tilespmem:s1+$0xFFFFFF40] =	vst v18;
	v18 =	vld [tilespmem:s13+$0xFFFFFF30]  }
0x14a: {  	v25 =	vadd.f32 v61, v10;
	[tilespmem:s1+$0xFFFFFF50] =	vst v24;
	v62 =	vld [tilespmem:s13+$0xFFFFFF40];
	v23 =	vmul.f32 $2.771281240e+01, v23  }
0x14b: {  	v14 =	vadd.f32 v20, v14;
	v20 =	vld [tilespmem:s13+$0xFFFFFF50];
	[tilespmem:s1+$0xFFFFFF00] =	vst v21;
	v17 =	vmul.f32 $2.771281240e+01, v17  }
0x14c: {  	[tilespmem:s1+$0xFFFFFF60] =	vst v25;
	v21 =	vld [tilespmem:s13+$0xFFFFFF00];
	v23 =	vadd.f32 v23, v9;
	v19 =	vmul.f32 $2.771281240e+01, v19  }
0x14d: {  	[tilespmem:s28+$0xA0] =	vst v14;
	v14 =	vld [tilespmem:s13+$0xFFFFFF60];
	v15 =	vadd.f32 v17, v15;
	v22 =	vmul.f32 $2.771281240e+01, v22  }
0x14e: {  	v18 =	vmul.f32 $2.771281240e+01, v18;
	[tilespmem:s1+$0xFFFFFF90] =	vst v23;
	v17 =	vadd.f32 v19, v8;
	v19 =	vld [tilespmem:s15+$0x30]  }
0x14f: {  	v24 =	vmul.f32 $2.771281240e+01, v62;
	v23 =	vld [tilespmem:s14+$0xFFFFFFA0];
	[tilespmem:s28+$0x80] =	vst v15;
	v22 =	vadd.f32 v22, v16  }
0x150: {  	v15 =	vadd.f32 v18, v5;
	v18 =	vld [tilespmem:s15+$0x40];
	[tilespmem:s1+$0xFFFFFFA0] =	vst v17;
	v17 =	vmul.f32 $2.771281240e+01, v20  }
0x151: {  	v24 =	vadd.f32 v24, v6;
	v20 =	vmul.f32 $2.771281240e+01, v21;
	v21 =	vld [tilespmem:s14+$0xFFFFFFB0];
	[tilespmem:s1+$0x70] =	vst v22  }
0x152: {  	v14 =	vmul.f32 $2.771281240e+01, v14;
	[tilespmem:s1+$0xFFFFFFB0] =	vst v15;
	v15 =	vadd.f32 v17, v11;
	v17 =	vld [tilespmem:s13+$0x70]  }
0x153: {  	v22 =	vld [tilespmem:s14+$0xFFFFFFC0];
	[tilespmem:s1+$0xFFFFFFC0] =	vst v24;
	v20 =	vadd.f32 v20, v7;
	v19 =	vmul.f32 $2.771281240e+01, v19  }
0x154: {  	v14 =	vadd.f32 v14, v10;
	v24 =	vld [tilespmem:s14+$0xFFFFFFD0];
	v23 =	vmul.f32 $2.771281240e+01, v23;
	[tilespmem:s1+$0xFFFFFFD0] =	vst v15  }
0x155: {  	v18 =	vmul.f32 $2.771281240e+01, v18;
	[tilespmem:s1+$0xFFFFFF80] =	vst v20;
	v15 =	vld [tilespmem:s14+$0xFFFFFFE0];
	v19 =	vadd.f32 v19, v13  }
0x156: {  	[tilespmem:s1+$0xFFFFFFE0] =	vst v14;
	v20 =	vld [tilespmem:s14+$0xFFFFFF90];
	v23 =	vadd.f32 v23, v9;
	v21 =	vmul.f32 $2.771281240e+01, v21  }
0x157: {  	v13 =	vld [tilespmem:s14+$0xFFFFFFF0];
	v12 =	vadd.f32 v18, v12;
	v63 =	vmul.f32 $2.771281240e+01, v17;
	[tilespmem:s28+$0xB0] =	vst v19  }
0x158: {  	[tilespmem:s1+$0x10] =	vst v23;
	v19 =	vmul.f32 $2.771281240e+01, v22;
	v17 =	vld [tilespmem:s15+$0x50];
	v18 =	vadd.f32 v21, v8  }
0x159: {  	[tilespmem:s28+$0xC0] =	vst v12;
	v14 =	vld [tilespmem:s13+$0x10];
	v21 =	vmul.f32 $2.771281240e+01, v24;
	v22 =	vadd.f32 v63, v16  }
0x15a: {  	s18 =	simm.s32 $0x8;
	v12 =	vadd.f32 v19, v5;
	v16 =	vld [tilespmem:s15+$0x60];
	[tilespmem:s1+$0x20] =	vst v18;
	v18 =	vmul.f32 $2.771281240e+01, v15  }
0x15b: {  	s17 =	smov.u32 s13;
	s16 =	sadd.s32 $0x400, s16;
	s15 =	smov.u32 s28;
	v20 =	vmul.f32 $2.771281240e+01, v20;
	v19 =	vadd.f32 v21, v6;
	v15 =	vld [tilespmem:s13+$0x20];
	[tilespmem:s1+$0xF0] =	vst v22  }
.LBB2_8:
0x15c: {  	v21 =	vld [tilespmem:s16+$0x0];
	s18 =	sadd.s32 $0x8, s18;
	[tilespmem:s1+$0x30] =	vst v12;
	v18 =	vadd.f32 v18, v11;
	v13 =	vmul.f32 $2.771281240e+01, v13  }
0x15d: {  	s12 =	sadd.s32 $0x80, s12;
	v22 =	vld [tilespmem:s16+$0xFFFFFF90];
	p1 =	slt.u32 s18, $0x28;
	v20 =	vadd.f32 v20, v7;
	[tilespmem:s1+$0x40] =	vst v19;
	v17 =	vmul.f32 $2.771281240e+01, v17  }
0x15e: {  	v12 =	vld [tilespmem:s12+$0x0];
	v14 =	vmul.f32 $2.771281240e+01, v14;
	[tilespmem:s1+$0x50] =	vst v18;
	v13 =	vadd.f32 v13, v10  }
0x15f: {  	v18 =	vld [tilespmem:s16+$0xFFFFFFA0];
	[tilespmem:s1+$0x0] =	vst v20;
	v17 =	vadd.f32 v17, v4;
	v16 =	vmul.f32 $2.771281240e+01, v16;
	v4 =	vmov v11  }
0x160: {  	v11 =	vld [tilespmem:s16+$0xFFFFFFB0];
	v9 =	vadd.f32 v14, v9;
	v14 =	vmul.f32 $2.771281240e+01, v15;
	[tilespmem:s1+$0x60] =	vst v13  }
0x161: {  	v13 =	vld [tilespmem:s16+$0xFFFFFFC0];
	v15 =	vmul.f32 $2.771281240e+01, v21;
	[tilespmem:s15+$0xD0] =	vst v17;
	v16 =	vadd.f32 v16, v3;
	v3 =	vmov v10  }
0x162: {  	v17 =	vmul.f32 $2.771281240e+01, v22;
	v10 =	vld [tilespmem:s16+$0xFFFFFFD0];
	[tilespmem:s1+$0x90] =	vst v9;
	v8 =	vadd.f32 v14, v8  }
0x163: {  	v14 =	vld [tilespmem:s16+$0xFFFFFFE0];
	v15 =	vadd.f32 v15, v12;
	[tilespmem:s15+$0xE0] =	vst v16;
	s15 =	smov.u32 s1  }
0x164: {  	s1 =	sadd.s32 $0x200, s1;
	v16 =	vmul.f32 $2.771281240e+01, v18;
	v18 =	vld [tilespmem:s16+$0xFFFFFFF0];
	[tilespmem:s15+$0xA0] =	vst v8  }
0x165: {  	s13 =	sadd.s32 $0x400, s13;
	v9 =	vld [tilespmem:s12+$0xFFFFFFA0];
	v19 =	vmul.f32 $2.771281240e+01, v11;
	[tilespmem:s1+$0xFFFFFF70] =	vst v15  }
0x166: {  	v13 =	vmul.f32 $2.771281240e+01, v13;
	v15 =	vld [tilespmem:s13+$0xFFFFFF70]  }
0x167: {  	v8 =	vld [tilespmem:s12+$0xFFFFFFB0];
	v20 =	vmul.f32 $2.771281240e+01, v10  }
0x168: {  	v21 =	vld [tilespmem:s12+$0xFFFFFFC0];
	v14 =	vmul.f32 $2.771281240e+01, v14  }
0x169: {  	v22 =	vld [tilespmem:s12+$0xFFFFFFD0];
	v18 =	vmul.f32 $2.771281240e+01, v18  }
0x16a: {  	v16 =	vadd.f32 v16, v9;
	v11 =	vld [tilespmem:s12+$0xFFFFFFE0]  }
0x16b: {  	v10 =	vld [tilespmem:s12+$0xFFFFFFF0];
	v15 =	vmul.f32 $2.771281240e+01, v15  }
0x16c: {  	v23 =	vld [tilespmem:s12+$0xFFFFFF90];
	[tilespmem:s1+$0xFFFFFF10] =	vst v16;
	v16 =	vadd.f32 v19, v8  }
0x16d: {  	v19 =	vld [tilespmem:s13+$0xFFFFFF10];
	v13 =	vadd.f32 v13, v21;
	v15 =	vadd.f32 v15, v12  }
0x16e: {  	[tilespmem:s1+$0xFFFFFF20] =	vst v16;
	v16 =	vadd.f32 v20, v22;
	v20 =	vld [tilespmem:s17+$0x0]  }
0x16f: {  	s14 =	sadd.s32 $0x400, s14;
	v24 =	vld [tilespmem:s13+$0xFFFFFF20];
	v14 =	vadd.f32 v14, v11;
	[tilespmem:s1+$0xFFFFFFF0] =	vst v15  }
0x170: {  	[tilespmem:s1+$0xFFFFFF30] =	vst v13;
	v13 =	vadd.f32 v18, v10;
	v15 =	vld [tilespmem:s14+$0x0]  }
0x171: {  	v17 =	vadd.f32 v17, v23;
	v18 =	vld [tilespmem:s13+$0xFFFFFF30];
	[tilespmem:s1+$0xFFFFFF40] =	vst v16  }
0x172: {  	v16 =	vmul.f32 $2.771281240e+01, v19;
	v19 =	vld [tilespmem:s13+$0xFFFFFF40];
	[tilespmem:s1+$0xFFFFFF50] =	vst v14  }
0x173: {  	[tilespmem:s1+$0xFFFFFF00] =	vst v17;
	v14 =	vld [tilespmem:s13+$0xFFFFFF50];
	v17 =	vmul.f32 $2.771281240e+01, v20  }
0x174: {  	v20 =	vld [tilespmem:s13+$0xFFFFFF00];
	v16 =	vadd.f32 v16, v9;
	v24 =	vmul.f32 $2.771281240e+01, v24;
	[tilespmem:s1+$0xFFFFFF60] =	vst v13  }
0x175: {  	v13 =	vld [tilespmem:s13+$0xFFFFFF60];
	v15 =	vmul.f32 $2.771281240e+01, v15;
	v17 =	vadd.f32 v17, v7;
	v7 =	vmov v23  }
0x176: {  	[tilespmem:s1+$0xFFFFFF90] =	vst v16;
	v16 =	vadd.f32 v24, v8;
	v18 =	vmul.f32 $2.771281240e+01, v18;
	v23 =	vld [tilespmem:s17+$0x30]  }
0x177: {  	v24 =	vld [tilespmem:s14+$0xFFFFFFA0];
	v19 =	vmul.f32 $2.771281240e+01, v19;
	v15 =	vadd.f32 v15, v12;
	[tilespmem:s15+$0x80] =	vst v17  }
0x178: {  	[tilespmem:s1+$0xFFFFFFA0] =	vst v16;
	v16 =	vadd.f32 v18, v21;
	v14 =	vmul.f32 $2.771281240e+01, v14;
	v17 =	vld [tilespmem:s17+$0x40]  }
0x179: {  	v18 =	vmul.f32 $2.771281240e+01, v20;
	v20 =	vld [tilespmem:s14+$0xFFFFFFB0];
	v19 =	vadd.f32 v19, v22;
	[tilespmem:s1+$0x70] =	vst v15  }
0x17a: {  	[tilespmem:s1+$0xFFFFFFB0] =	vst v16;
	v14 =	vadd.f32 v14, v11;
	v13 =	vmul.f32 $2.771281240e+01, v13;
	v15 =	vld [tilespmem:s13+$0x70]  }
0x17b: {  	v16 =	vadd.f32 v18, v7;
	v18 =	vld [tilespmem:s14+$0xFFFFFFC0];
	[tilespmem:s1+$0xFFFFFFC0] =	vst v19;
	v19 =	vmul.f32 $2.771281240e+01, v23  }
0x17c: {  	v23 =	vmul.f32 $2.771281240e+01, v24;
	v24 =	vld [tilespmem:s14+$0xFFFFFFD0];
	[tilespmem:s1+$0xFFFFFFD0] =	vst v14;
	v13 =	vadd.f32 v13, v10  }
0x17d: {  	[tilespmem:s1+$0xFFFFFF80] =	vst v16;
	v16 =	vld [tilespmem:s14+$0xFFFFFFE0];
	v14 =	vadd.f32 v19, v5;
	v17 =	vmul.f32 $2.771281240e+01, v17;
	v5 =	vmov v21  }
0x17e: {  	v19 =	vld [tilespmem:s14+$0xFFFFFF90];
	v21 =	vadd.f32 v23, v9;
	v20 =	vmul.f32 $2.771281240e+01, v20;
	[tilespmem:s1+$0xFFFFFFE0] =	vst v13  }
.Ltmp4:
0x17f: {  	v13 =	vld [tilespmem:s14+$0xFFFFFFF0];
	v15 =	vmul.f32 $2.771281240e+01, v15;
	[tilespmem:s15+$0xB0] =	vst v14;
	v23 =	vadd.f32 v17, v6;
	v6 =	vmov v22;
	(pc) =	sbr.rel @p1 .LBB2_8-.Ltmp4, $4  }
0x180: {  	[tilespmem:s1+$0x10] =	vst v21;
	v20 =	vadd.f32 v20, v8;
	v18 =	vmul.f32 $2.771281240e+01, v18;
	v17 =	vld [tilespmem:s17+$0x50]  }
0x181: {  	v14 =	vld [tilespmem:s13+$0x10];
	v21 =	vmul.f32 $2.771281240e+01, v24;
	v22 =	vadd.f32 v15, v12;
	[tilespmem:s15+$0xC0] =	vst v23  }
0x182: {  	[tilespmem:s1+$0x20] =	vst v20;
	v12 =	vadd.f32 v18, v5;
	v18 =	vmul.f32 $2.771281240e+01, v16;
	v16 =	vld [tilespmem:s17+$0x60];
	s17 =	smov.u32 s13  }
0x183: {  	s16 =	sadd.s32 $0x400, s16;
	v20 =	vmul.f32 $2.771281240e+01, v19;
	v15 =	vld [tilespmem:s13+$0x20];
	v19 =	vadd.f32 v21, v6;
	[tilespmem:s1+$0xF0] =	vst v22  }
0x184: {  	_ = 	snop  }
0x185: {  	v20 =	vadd.f32 v20, v7;
	_ =	sdelay $0x1  }
0x186: {  	v13 =	vmul.f32 $2.771281240e+01, v13;
	[tilespmem:s1+$0x0] =	vst v20  }
0x187: {  	[tilespmem:s1+$0x30] =	vst v12;
	v51 =	vadd.f32 v18, v11;
	v52 =	vld [tilespmem:s17+$0x0]  }
0x188: {  	[tilespmem:s1+$0x40] =	vst v19;
	v17 =	vmul.f32 $2.771281240e+01, v17;
	v53 =	vld [tilespmem:s17+$0x30];
	v13 =	vadd.f32 v13, v10  }
0x189: {  	v14 =	vmul.f32 $2.771281240e+01, v14;
	[tilespmem:s1+$0x50] =	vst v51;
	v54 =	vld [tilespmem:s17+$0x40]  }
0x18a: {  	v4 =	vadd.f32 v17, v4;
	v16 =	vmul.f32 $2.771281240e+01, v16;
	v55 =	vld [tilespmem:s17+$0x50];
	[tilespmem:s1+$0x60] =	vst v13  }
0x18b: {  	v9 =	vadd.f32 v14, v9;
	v56 =	vmul.f32 $2.771281240e+01, v15;
	v57 =	vld [tilespmem:s17+$0x60]  }
0x18c: {  	[tilespmem:s15+$0xD0] =	vst v4;
	v3 =	vadd.f32 v16, v3;
	v58 =	vmul.f32 $2.771281240e+01, v52  }
0x18d: {  	[tilespmem:s1+$0x90] =	vst v9;
	v8 =	vadd.f32 v56, v8;
	v59 =	vmul.f32 $2.771281240e+01, v53  }
0x18e: {  	s0 =	sadd.s32 $0x1, s0;
	[tilespmem:s15+$0xE0] =	vst v3;
	v60 =	vmul.f32 $2.771281240e+01, v54;
	v3 =	vadd.f32 v58, v7  }
0x18f: {  	p1 =	sne.s32 s0, $0x4;
	[tilespmem:s1+$0xA0] =	vst v8;
	v5 =	vadd.f32 v59, v5;
	v61 =	vmul.f32 $2.771281240e+01, v55  }
.Ltmp5:
0x190: {  	v62 =	vmul.f32 $2.771281240e+01, v57;
	[tilespmem:s1+$0x80] =	vst v3;
	v3 =	vadd.f32 v60, v6;
	(pc) =	sbr.rel @p1 .LBB2_7-.Ltmp5, $4  }
0x191: {  	[tilespmem:s1+$0xB0] =	vst v5;
	v63 =	vadd.f32 v61, v11  }
0x192: {  	[tilespmem:s1+$0xC0] =	vst v3;
	v3 =	vadd.f32 v62, v10  }
0x193: {  	s24 =	sadd.s32 $0x300, s24;
	s28 =	sadd.s32 $0xC00, s28;
	p0 =	por !p0, !p0;
	[tilespmem:s1+$0xD0] =	vst v63  }
0x194: {  	s29 =	sadd.s32 $0x4, s29;
	s30 =	sadd.s32 $0x2, s30;
	s26 =	sadd.s32 $0x4, s26;
	[tilespmem:s1+$0xE0] =	vst v3  }
0x195: {  	s0 =	sadd.s32 s5, s25  }
0x196: {  	s0 =	smul.u32 $0x180, s0;
	_ =	sdelay $0x1  }
0x197: {  	s1 =	simm.s32 $0x1B400;
	p0 =	seq.s32 s10, $0x3;
	s0 =	sadd.s32 s3, s0  }
0x198: {  	[hbm4b:s0+s4] =	stream.linear.scatter [tilespmem:s1], [sflag:$0x4], $0x3000, $0x38;
	[tilespmem:$0x1E400] =	vst v63  }
0x199: {  	s0 =	sshrl.u32 @!p0 s11, $0x2  }
0x19a: {  	v3 =	vld @!p0 [tilespmem:s0+$0x100];
	_ =	sdelay $0x4  }
0x19b: {  	v4 =	vshrl.u32 @!p0 v3, $0x3  }
0x19c: {  	v4 =	vmul.u32 @!p0 $0x30, v4  }
0x19d: {  	v5 =	vlaneseq.u32 @!p0;
	v3 =	vand.u32 @!p0 $0x7, v3  }
0x19e: {  	v6 =	vshrl.u32 @!p0 v5, $0x3;
	v3 =	vor.u32 @!p0 v3, v4;
	v4 =	vand.u32 @!p0 $0x7, v5  }
0x19f: {  	v6 =	vmul.u32 @!p0 $0x8, v6;
	v7 =	vperm.xlane @!p0 v3, v4;
	_ =	sdelay $0x1  }
0x1a0: {  	v7 =	vadd.s32 @!p0 v6, v7;
	_ =	sdelay $0x2  }
0x1a1: {  	v5 =	vor.u32 @!p0 $0x8, v5  }
0x1a2: {  	vm1 =	vmmov @!p0 $0xffff;
	s12 =	simm.s32 @!p0 $0xC400;
	s1 =	simm.s32 @!p0 $0x0;
	v3 =	vperm.xlane @!p0 v3, v5  }
0x1a3: {  	[tilespmem:s12], [sflag:$0x1] =	stream.indirect_vreg.gather @!p0 [hbm4b:s2+s1], $0x80, v7, vm1, $0xb8;
	[tilespmem:$0x1E400] =	vst v63  }
0x1a4: {  	v3 =	vadd.s32 @!p0 v6, v3;
	s12 =	simm.s32 @!p0 $0xCC00  }
0x1a5: {  	[tilespmem:s12], [sflag:$0x1] =	stream.indirect_vreg.gather @!p0 [hbm4b:s8+s1], $0x80, v7, vm1, $0xb8;
	[tilespmem:$0x1E400] =	vst v63  }
0x1a6: {  	s12 =	simm.s32 @!p0 $0xD400  }
0x1a7: {  	[tilespmem:s12], [sflag:$0x1] =	stream.indirect_vreg.gather @!p0 [hbm4b:s9+s1], $0x80, v7, vm1, $0xb8;
	[tilespmem:$0x1E400] =	vst v63  }
0x1a8: {  	s12 =	simm.s32 @!p0 $0xDC00  }
0x1a9: {  	[tilespmem:s12], [sflag:$0x1] =	stream.indirect_vreg.gather @!p0 [hbm4b:s2+s1], $0x80, v3, vm1, $0xb8;
	[tilespmem:$0x1E400] =	vst v63  }
0x1aa: {  	s12 =	simm.s32 @!p0 $0xE400  }
0x1ab: {  	[tilespmem:s12], [sflag:$0x1] =	stream.indirect_vreg.gather @!p0 [hbm4b:s8+s1], $0x80, v3, vm1, $0xb8;
	[tilespmem:$0x1E400] =	vst v63  }
0x1ac: {  	s12 =	simm.s32 @!p0 $0xEC00  }
0x1ad: {  	[tilespmem:s12], [sflag:$0x1] =	stream.indirect_vreg.gather @!p0 [hbm4b:s9+s1], $0x80, v3, vm1, $0xb8;
	[tilespmem:$0x1E400] =	vst v63  }
0x1ae: {  	v3 =	vld @!p0 [tilespmem:s0+$0x110];
	_ =	sdelay $0x4  }
0x1af: {  	v7 =	vshrl.u32 @!p0 v3, $0x3  }
0x1b0: {  	v7 =	vmul.u32 @!p0 $0x30, v7  }
0x1b1: {  	v3 =	vand.u32 @!p0 $0x7, v3  }
0x1b2: {  	v3 =	vor.u32 @!p0 v3, v7  }
0x1b3: {  	v4 =	vperm.xlane @!p0 v3, v4;
	_ =	sdelay $0x1  }
0x1b4: {  	v4 =	vadd.s32 @!p0 v6, v4;
	_ =	sdelay $0x3  }
0x1b5: {  	s0 =	simm.s32 @!p0 $0xF400;
	v3 =	vperm.xlane @!p0 v3, v5  }
0x1b6: {  	[tilespmem:s0], [sflag:$0x1] =	stream.indirect_vreg.gather @!p0 [hbm4b:s2+s1], $0x80, v4, vm1, $0xb8;
	[tilespmem:$0x1E400] =	vst v63  }
0x1b7: {  	v3 =	vadd.s32 @!p0 v6, v3;
	s0 =	simm.s32 @!p0 $0xFC00  }
0x1b8: {  	[tilespmem:s0], [sflag:$0x1] =	stream.indirect_vreg.gather @!p0 [hbm4b:s8+s1], $0x80, v4, vm1, $0xb8;
	[tilespmem:$0x1E400] =	vst v63  }
0x1b9: {  	s0 =	simm.s32 @!p0 $0x10400  }
0x1ba: {  	[tilespmem:s0], [sflag:$0x1] =	stream.indirect_vreg.gather @!p0 [hbm4b:s9+s1], $0x80, v4, vm1, $0xb8;
	[tilespmem:$0x1E400] =	vst v63  }
0x1bb: {  	s0 =	simm.s32 @!p0 $0x10C00  }
0x1bc: {  	[tilespmem:s0], [sflag:$0x1] =	stream.indirect_vreg.gather @!p0 [hbm4b:s2+s1], $0x80, v3, vm1, $0xb8;
	[tilespmem:$0x1E400] =	vst v63  }
0x1bd: {  	s0 =	simm.s32 @!p0 $0x11400  }
0x1be: {  	[tilespmem:s0], [sflag:$0x1] =	stream.indirect_vreg.gather @!p0 [hbm4b:s8+s1], $0x80, v3, vm1, $0xb8;
	[tilespmem:$0x1E400] =	vst v63  }
0x1bf: {  	s0 =	simm.s32 @!p0 $0x11C00  }
0x1c0: {  	[tilespmem:s0], [sflag:$0x1] =	stream.indirect_vreg.gather @!p0 [hbm4b:s9+s1], $0x80, v3, vm1, $0xb8;
	[tilespmem:$0x1E400] =	vst v63  }
0x1c1: {  	_ =	swait.ge [sflag:s19], $0x6000  }
0x1c2: {  	[sflag:s19] =	ssyncset.done $0x0  }
0x1c3: {  	[sflag:s19] =	ssyncadd.s32 $0xFFFFA000  }
0x1c4: {  	s24 =	simm.s32 $0x0;
	p1 =	por $0x0, $0x0;
	_ =	swait.ge [sflag:s20], $0x3000  }
0x1c5: {  	s25 =	simm.s32 $0x18500;
	s26 =	smov.u32 s6;
	[sflag:s20] =	ssyncset.done $0x0  }
0x1c6: {  	s30 =	simm.s32 $0x18400;
	s0 =	sor.u32 $0x8, s22;
	[sflag:s20] =	ssyncadd.s32 $0xFFFFD000  }
.LBB2_11:
0x1c7: {  	s1 =	sshrl.u32 s24, $0x1;
	s12 =	simm.s32 $0x1  }
0x1c8: {  	s1 =	smul.u32 $0x6000, s1;
	s12 =	simm.s32 @!p1 $0x0  }
0x1c9: {  	s12 =	sshll.u32 s12, $0xB  }
0x1ca: {  	s1 =	sor.u32 s12, s1  }
0x1cb: {  	s1 =	sshra.s32 s1, $0x2  }
0x1cc: {  	v6 =	vld [tilespmem:s26+$0x0];
	s13 =	sadd.s32 $0x12500, s1  }
0x1cd: {  	v3 =	vld [tilespmem:s13+$0xFFFFFF70]  }
0x1ce: {  	v16 =	vld [tilespmem:s26+$0xFFFFFFA0]  }
0x1cf: {  	v14 =	vld [tilespmem:s26+$0xFFFFFFB0]  }
0x1d0: {  	v13 =	vld [tilespmem:s26+$0xFFFFFFC0]  }
0x1d1: {  	v12 =	vld [tilespmem:s26+$0xFFFFFFD0]  }
0x1d2: {  	v4 =	vld [tilespmem:s13+$0xFFFFFF10];
	v3 =	vmul.f32 $2.771281240e+01, v3  }
0x1d3: {  	v5 =	vld [tilespmem:s13+$0xFFFFFF00]  }
0x1d4: {  	v7 =	vld [tilespmem:s13+$0xFFFFFF20];
	v3 =	vadd.f32 v3, v6  }
0x1d5: {  	v8 =	vld [tilespmem:s13+$0xFFFFFF30]  }
0x1d6: {  	v9 =	vld [tilespmem:s13+$0xFFFFFF40];
	[tilespmem:s25+$0xFFFFFF70] =	vst v3  }
0x1d7: {  	v3 =	vmul.f32 $2.771281240e+01, v4;
	v15 =	vld [tilespmem:s13+$0xFFFFFFF0]  }
0x1d8: {  	v10 =	vld [tilespmem:s13+$0xFFFFFF50]  }
0x1d9: {  	v11 =	vld [tilespmem:s13+$0xFFFFFF60];
	v7 =	vmul.f32 $2.771281240e+01, v7;
	v17 =	vadd.f32 v3, v16  }
0x1da: {  	v4 =	vld [tilespmem:s26+$0xFFFFFFE0]  }
0x1db: {  	v7 =	vadd.f32 v7, v14;
	v3 =	vld [tilespmem:s26+$0xFFFFFFF0];
	[tilespmem:s25+$0xFFFFFF10] =	vst v17  }
0x1dc: {  	v8 =	vmul.f32 $2.771281240e+01, v8;
	v17 =	vld [tilespmem:s13+$0xFFFFFF90];
	v18 =	vmul.f32 $2.771281240e+01, v15  }
0x1dd: {  	[tilespmem:s25+$0xFFFFFF20] =	vst v7;
	v15 =	vld [tilespmem:s26+$0xFFFFFF90]  }
0x1de: {  	v8 =	vadd.f32 v8, v13;
	v7 =	vmul.f32 $2.771281240e+01, v9;
	v9 =	vadd.f32 v18, v6;
	v18 =	vld [tilespmem:s13+$0xFFFFFFA0]  }
0x1df: {  	v10 =	vmul.f32 $2.771281240e+01, v10  }
0x1e0: {  	s12 =	sadd.s32 $0x80, s26;
	v5 =	vmul.f32 $2.771281240e+01, v5;
	[tilespmem:s25+$0xFFFFFF30] =	vst v8;
	v7 =	vadd.f32 v7, v12  }
0x1e1: {  	v22 =	vld [tilespmem:s12+$0x0];
	v10 =	vadd.f32 v10, v4;
	[tilespmem:s25+$0xFFFFFFF0] =	vst v9;
	v9 =	vmul.f32 $2.771281240e+01, v11  }
0x1e2: {  	[tilespmem:s25+$0xFFFFFF40] =	vst v7;
	v11 =	vld [tilespmem:s13+$0xFFFFFFB0];
	v7 =	vmul.f32 $2.771281240e+01, v17;
	v5 =	vadd.f32 v5, v15  }
0x1e3: {  	[tilespmem:s25+$0xFFFFFF50] =	vst v10;
	v17 =	vld [tilespmem:s13+$0xFFFFFFC0];
	v9 =	vadd.f32 v9, v3;
	v10 =	vmul.f32 $2.771281240e+01, v18  }
0x1e4: {  	v7 =	vadd.f32 v7, v16;
	[tilespmem:s25+$0xFFFFFF00] =	vst v5;
	v5 =	vld [tilespmem:s13+$0xFFFFFFD0]  }
0x1e5: {  	v8 =	vld [tilespmem:s13+$0x70];
	[tilespmem:s25+$0xFFFFFF60] =	vst v9;
	v9 =	vadd.f32 v10, v14  }
0x1e6: {  	s28 =	sadd.s32 $0x400, s13;
	[tilespmem:s25+$0xFFFFFF90] =	vst v7;
	v10 =	vld [tilespmem:s13+$0xFFFFFFE0]  }
0x1e7: {  	v21 =	vld [tilespmem:s28+$0xFFFFFF00];
	v7 =	vmul.f32 $2.771281240e+01, v11;
	[tilespmem:s25+$0xFFFFFFA0] =	vst v9  }
0x1e8: {  	v9 =	vmul.f32 $2.771281240e+01, v17;
	v17 =	vld [tilespmem:s13+$0x20]  }
0x1e9: {  	v23 =	vld [tilespmem:s28+$0xFFFFFF10];
	v7 =	vadd.f32 v7, v13;
	v5 =	vmul.f32 $2.771281240e+01, v5  }
0x1ea: {  	v24 =	vld [tilespmem:s28+$0xFFFFFF20];
	v8 =	vmul.f32 $2.771281240e+01, v8  }
0x1eb: {  	v18 =	vld [tilespmem:s13+$0xFFFFFF80];
	[tilespmem:s25+$0xFFFFFFB0] =	vst v7;
	v5 =	vadd.f32 v5, v4;
	v7 =	vmul.f32 $2.771281240e+01, v10  }
0x1ec: {  	v25 =	vld [tilespmem:s28+$0xFFFFFF30];
	v8 =	vadd.f32 v8, v6  }
0x1ed: {  	v11 =	vld [tilespmem:s13+$0x10];
	[tilespmem:s25+$0xFFFFFFD0] =	vst v5;
	v5 =	vadd.f32 v7, v3;
	v7 =	vmul.f32 $2.771281240e+01, v17  }
0x1ee: {  	v26 =	vld [tilespmem:s28+$0xFFFFFF40];
	[tilespmem:s25+$0x70] =	vst v8  }
0x1ef: {  	v27 =	vld [tilespmem:s28+$0xFFFFFF60];
	[tilespmem:s25+$0xFFFFFFE0] =	vst v5;
	v5 =	vadd.f32 v7, v14  }
0x1f0: {  	v18 =	vmul.f32 $2.771281240e+01, v18;
	v9 =	vadd.f32 v9, v12;
	v8 =	vld [tilespmem:s13+$0xF0]  }
0x1f1: {  	[tilespmem:s25+$0x20] =	vst v5;
	v5 =	vld [tilespmem:s28+$0xFFFFFF70]  }
0x1f2: {  	v10 =	vadd.f32 v18, v15;
	v18 =	vld [tilespmem:s13+$0x30];
	[tilespmem:s25+$0xFFFFFFC0] =	vst v9;
	v9 =	vmul.f32 $2.771281240e+01, v11  }
0x1f3: {  	v11 =	vld [tilespmem:s13+$0x40]  }
0x1f4: {  	[tilespmem:s25+$0xFFFFFF80] =	vst v10;
	v10 =	vld [tilespmem:s13+$0x50];
	v9 =	vadd.f32 v9, v16  }
0x1f5: {  	v17 =	vld [tilespmem:s13+$0x0];
	v8 =	vmul.f32 $2.771281240e+01, v8  }
0x1f6: {  	v7 =	vld [tilespmem:s13+$0x60];
	[tilespmem:s25+$0x10] =	vst v9;
	v5 =	vmul.f32 $2.771281240e+01, v5  }
0x1f7: {  	v19 =	vld [tilespmem:s13+$0x90];
	v9 =	vmul.f32 $2.771281240e+01, v18;
	v6 =	vadd.f32 v8, v6  }
0x1f8: {  	v18 =	vld [tilespmem:s28+$0xFFFFFF50];
	v11 =	vmul.f32 $2.771281240e+01, v11;
	v5 =	vadd.f32 v5, v22  }
0x1f9: {  	s1 =	sadd.s32 $0x200, s25;
	v8 =	vadd.f32 v9, v13;
	v10 =	vmul.f32 $2.771281240e+01, v10;
	v9 =	vld [tilespmem:s12+$0xFFFFFFA0];
	[tilespmem:s25+$0xF0] =	vst v6  }
0x1fa: {  	v20 =	vld [tilespmem:s13+$0xA0];
	v11 =	vadd.f32 v11, v12;
	[tilespmem:s1+$0xFFFFFF70] =	vst v5  }
0x1fb: {  	[tilespmem:s25+$0x30] =	vst v8;
	v6 =	vadd.f32 v10, v4;
	v7 =	vmul.f32 $2.771281240e+01, v7;
	v5 =	vmul.f32 $2.771281240e+01, v17;
	v17 =	vld [tilespmem:s28+$0xFFFFFFF0]  }
0x1fc: {  	v8 =	vld [tilespmem:s12+$0xFFFFFFB0];
	[tilespmem:s25+$0x40] =	vst v11;
	v11 =	vmul.f32 $2.771281240e+01, v23  }
0x1fd: {  	v19 =	vmul.f32 $2.771281240e+01, v19;
	[tilespmem:s25+$0x50] =	vst v6;
	v7 =	vadd.f32 v7, v3;
	v6 =	vld [tilespmem:s12+$0xFFFFFFD0]  }
0x1fe: {  	v60 =	vadd.f32 v11, v9;
	v10 =	vadd.f32 v5, v15;
	v5 =	vld [tilespmem:s12+$0xFFFFFFC0]  }
0x1ff: {  	v23 =	vmul.f32 $2.771281240e+01, v24;
	v11 =	vld [tilespmem:s12+$0xFFFFFFE0];
	v16 =	vadd.f32 v19, v16;
	[tilespmem:s25+$0x60] =	vst v7  }
0x200: {  	v7 =	vld [tilespmem:s12+$0xFFFFFF90];
	[tilespmem:s1+$0xFFFFFF10] =	vst v60;
	v17 =	vmul.f32 $2.771281240e+01, v17  }
0x201: {  	v19 =	vmul.f32 $2.771281240e+01, v25;
	v23 =	vadd.f32 v23, v8;
	[tilespmem:s25+$0x90] =	vst v16;
	v24 =	vld [tilespmem:s28+$0xFFFFFF90]  }
0x202: {  	v16 =	vmul.f32 $2.771281240e+01, v26;
	[tilespmem:s25+$0x0] =	vst v10;
	v10 =	vld [tilespmem:s12+$0xFFFFFFF0];
	v17 =	vadd.f32 v17, v22  }
0x203: {  	v18 =	vmul.f32 $2.771281240e+01, v18;
	[tilespmem:s1+$0xFFFFFF20] =	vst v23;
	v23 =	vld [tilespmem:s13+$0x80];
	v19 =	vadd.f32 v19, v5  }
0x204: {  	v21 =	vmul.f32 $2.771281240e+01, v21;
	v16 =	vadd.f32 v16, v6;
	[tilespmem:s1+$0xFFFFFFF0] =	vst v17;
	v17 =	vld [tilespmem:s28+$0xFFFFFFA0]  }
0x205: {  	v61 =	vmul.f32 $2.771281240e+01, v27;
	v18 =	vadd.f32 v18, v11;
	[tilespmem:s1+$0xFFFFFF30] =	vst v19;
	v19 =	vld [tilespmem:s28+$0x70]  }
0x206: {  	v20 =	vmul.f32 $2.771281240e+01, v20;
	v21 =	vadd.f32 v21, v7;
	[tilespmem:s1+$0xFFFFFF40] =	vst v16;
	v16 =	vld [tilespmem:s28+$0xFFFFFFB0]  }
0x207: {  	[tilespmem:s1+$0xFFFFFF50] =	vst v18;
	v18 =	vld [tilespmem:s28+$0xFFFFFFC0];
	v24 =	vmul.f32 $2.771281240e+01, v24;
	v25 =	vadd.f32 v61, v10  }
0x208: {  	v14 =	vadd.f32 v20, v14;
	[tilespmem:s1+$0xFFFFFF00] =	vst v21;
	v20 =	vld [tilespmem:s28+$0xFFFFFFD0];
	v21 =	vmul.f32 $2.771281240e+01, v23  }
0x209: {  	v24 =	vadd.f32 v24, v9;
	v23 =	vld [tilespmem:s28+$0xFFFFFF80];
	[tilespmem:s1+$0xFFFFFF60] =	vst v25;
	v17 =	vmul.f32 $2.771281240e+01, v17  }
0x20a: {  	[tilespmem:s25+$0xA0] =	vst v14;
	v14 =	vld [tilespmem:s28+$0xFFFFFFE0];
	v15 =	vadd.f32 v21, v15;
	v19 =	vmul.f32 $2.771281240e+01, v19  }
0x20b: {  	[tilespmem:s1+$0xFFFFFF90] =	vst v24;
	v21 =	vld [tilespmem:s13+$0xB0];
	v16 =	vmul.f32 $2.771281240e+01, v16;
	v17 =	vadd.f32 v17, v8  }
0x20c: {  	v18 =	vmul.f32 $2.771281240e+01, v18;
	v24 =	vld [tilespmem:s28+$0x10];
	[tilespmem:s25+$0x80] =	vst v15;
	v19 =	vadd.f32 v19, v22  }
0x20d: {  	v15 =	vadd.f32 v16, v5;
	v16 =	vmul.f32 $2.771281240e+01, v20;
	[tilespmem:s1+$0xFFFFFFA0] =	vst v17;
	v17 =	vld [tilespmem:s13+$0xC0]  }
0x20e: {  	v18 =	vadd.f32 v18, v6;
	v20 =	vmul.f32 $2.771281240e+01, v23;
	v23 =	vld [tilespmem:s28+$0x20];
	[tilespmem:s1+$0x70] =	vst v19  }
0x20f: {  	v14 =	vmul.f32 $2.771281240e+01, v14;
	[tilespmem:s1+$0xFFFFFFB0] =	vst v15;
	v15 =	vadd.f32 v16, v11;
	v16 =	vld [tilespmem:s28+$0xF0]  }
0x210: {  	[tilespmem:s1+$0xFFFFFFC0] =	vst v18;
	v18 =	vmul.f32 $2.771281240e+01, v21;
	v19 =	vadd.f32 v20, v7;
	v20 =	vld [tilespmem:s28+$0x30]  }
0x211: {  	v62 =	vld [tilespmem:s28+$0x40];
	v21 =	vmul.f32 $2.771281240e+01, v24;
	v14 =	vadd.f32 v14, v10;
	[tilespmem:s1+$0xFFFFFFD0] =	vst v15  }
0x212: {  	v18 =	vadd.f32 v18, v13;
	[tilespmem:s1+$0xFFFFFF80] =	vst v19;
	v15 =	vld [tilespmem:s28+$0x50];
	v17 =	vmul.f32 $2.771281240e+01, v17  }
0x213: {  	v21 =	vadd.f32 v21, v9;
	[tilespmem:s1+$0xFFFFFFE0] =	vst v14;
	v19 =	vld [tilespmem:s28+$0x0];
	v23 =	vmul.f32 $2.771281240e+01, v23  }
0x214: {  	[tilespmem:s25+$0xB0] =	vst v18;
	v13 =	vld [tilespmem:s28+$0x60];
	v63 =	vmul.f32 $2.771281240e+01, v16;
	v12 =	vadd.f32 v17, v12  }
0x215: {  	[tilespmem:s1+$0x10] =	vst v21;
	v18 =	vmul.f32 $2.771281240e+01, v20;
	v16 =	vld [tilespmem:s13+$0xD0];
	v17 =	vadd.f32 v23, v8  }
0x216: {  	v21 =	vmul.f32 $2.771281240e+01, v62;
	v14 =	vld [tilespmem:s28+$0x90];
	v22 =	vadd.f32 v63, v22;
	[tilespmem:s25+$0xC0] =	vst v12  }
0x217: {  	v12 =	vadd.f32 v18, v5;
	v18 =	vmul.f32 $2.771281240e+01, v15;
	[tilespmem:s1+$0x20] =	vst v17;
	v17 =	vld [tilespmem:s13+$0xE0]  }
0x218: {  	s14 =	simm.s32 $0x8;
	s15 =	sadd.s32 $0x400, s28;
	v20 =	vmul.f32 $2.771281240e+01, v19;
	v19 =	vadd.f32 v21, v6;
	s13 =	smov.u32 s25;
	v15 =	vld [tilespmem:s28+$0xA0];
	[tilespmem:s1+$0xF0] =	vst v22  }
.LBB2_12:
0x219: {  	v21 =	vld [tilespmem:s15+$0xFFFFFF70];
	s14 =	sadd.s32 $0x8, s14;
	[tilespmem:s1+$0x30] =	vst v12;
	v18 =	vadd.f32 v18, v11;
	v13 =	vmul.f32 $2.771281240e+01, v13  }
0x21a: {  	s12 =	sadd.s32 $0x80, s12;
	v22 =	vld [tilespmem:s15+$0xFFFFFF00];
	p2 =	slt.u32 s14, $0x28;
	v20 =	vadd.f32 v20, v7;
	[tilespmem:s1+$0x40] =	vst v19;
	v16 =	vmul.f32 $2.771281240e+01, v16  }
0x21b: {  	v12 =	vld [tilespmem:s12+$0x0];
	v14 =	vmul.f32 $2.771281240e+01, v14;
	[tilespmem:s1+$0x50] =	vst v18;
	v13 =	vadd.f32 v13, v10  }
0x21c: {  	v18 =	vld [tilespmem:s15+$0xFFFFFF10];
	[tilespmem:s1+$0x0] =	vst v20;
	v16 =	vadd.f32 v16, v4;
	v17 =	vmul.f32 $2.771281240e+01, v17;
	v4 =	vmov v11  }
0x21d: {  	v11 =	vld [tilespmem:s15+$0xFFFFFF20];
	v9 =	vadd.f32 v14, v9;
	v14 =	vmul.f32 $2.771281240e+01, v15;
	[tilespmem:s1+$0x60] =	vst v13  }
0x21e: {  	v13 =	vld [tilespmem:s15+$0xFFFFFF30];
	v15 =	vmul.f32 $2.771281240e+01, v21;
	[tilespmem:s13+$0xD0] =	vst v16;
	v16 =	vadd.f32 v17, v3;
	v3 =	vmov v10  }
0x21f: {  	v17 =	vmul.f32 $2.771281240e+01, v22;
	v10 =	vld [tilespmem:s15+$0xFFFFFF40];
	[tilespmem:s1+$0x90] =	vst v9;
	v8 =	vadd.f32 v14, v8  }
0x220: {  	v14 =	vld [tilespmem:s15+$0xFFFFFF50];
	v15 =	vadd.f32 v15, v12;
	[tilespmem:s13+$0xE0] =	vst v16;
	s13 =	smov.u32 s1  }
0x221: {  	s1 =	sadd.s32 $0x200, s1;
	v16 =	vmul.f32 $2.771281240e+01, v18;
	v18 =	vld [tilespmem:s15+$0xFFFFFF60];
	[tilespmem:s13+$0xA0] =	vst v8  }
0x222: {  	v9 =	vld [tilespmem:s12+$0xFFFFFFA0];
	v19 =	vmul.f32 $2.771281240e+01, v11;
	[tilespmem:s1+$0xFFFFFF70] =	vst v15  }
0x223: {  	v13 =	vmul.f32 $2.771281240e+01, v13;
	v15 =	vld [tilespmem:s15+$0xFFFFFFF0]  }
0x224: {  	v8 =	vld [tilespmem:s12+$0xFFFFFFB0];
	v20 =	vmul.f32 $2.771281240e+01, v10  }
0x225: {  	v21 =	vld [tilespmem:s12+$0xFFFFFFC0];
	v14 =	vmul.f32 $2.771281240e+01, v14  }
0x226: {  	v22 =	vld [tilespmem:s12+$0xFFFFFFD0];
	v18 =	vmul.f32 $2.771281240e+01, v18  }
0x227: {  	v16 =	vadd.f32 v16, v9;
	v11 =	vld [tilespmem:s12+$0xFFFFFFE0]  }
0x228: {  	v10 =	vld [tilespmem:s12+$0xFFFFFFF0];
	v15 =	vmul.f32 $2.771281240e+01, v15  }
0x229: {  	v23 =	vld [tilespmem:s12+$0xFFFFFF90];
	[tilespmem:s1+$0xFFFFFF10] =	vst v16;
	v16 =	vadd.f32 v19, v8  }
0x22a: {  	v19 =	vld [tilespmem:s15+$0xFFFFFF90];
	v13 =	vadd.f32 v13, v21;
	v15 =	vadd.f32 v15, v12  }
0x22b: {  	[tilespmem:s1+$0xFFFFFF20] =	vst v16;
	v16 =	vadd.f32 v20, v22;
	v20 =	vld [tilespmem:s28+$0x80]  }
0x22c: {  	v24 =	vld [tilespmem:s15+$0xFFFFFFA0];
	v14 =	vadd.f32 v14, v11;
	[tilespmem:s1+$0xFFFFFFF0] =	vst v15  }
0x22d: {  	[tilespmem:s1+$0xFFFFFF30] =	vst v13;
	v13 =	vadd.f32 v18, v10;
	v15 =	vld [tilespmem:s15+$0x70]  }
0x22e: {  	v17 =	vadd.f32 v17, v23;
	v18 =	vld [tilespmem:s15+$0xFFFFFFB0];
	[tilespmem:s1+$0xFFFFFF40] =	vst v16  }
0x22f: {  	v16 =	vmul.f32 $2.771281240e+01, v19;
	v19 =	vld [tilespmem:s15+$0xFFFFFFC0];
	[tilespmem:s1+$0xFFFFFF50] =	vst v14  }
0x230: {  	[tilespmem:s1+$0xFFFFFF00] =	vst v17;
	v14 =	vld [tilespmem:s15+$0xFFFFFFD0];
	v17 =	vmul.f32 $2.771281240e+01, v20  }
0x231: {  	v20 =	vld [tilespmem:s15+$0xFFFFFF80];
	v16 =	vadd.f32 v16, v9;
	v24 =	vmul.f32 $2.771281240e+01, v24;
	[tilespmem:s1+$0xFFFFFF60] =	vst v13  }
0x232: {  	v13 =	vld [tilespmem:s15+$0xFFFFFFE0];
	v15 =	vmul.f32 $2.771281240e+01, v15;
	v17 =	vadd.f32 v17, v7;
	v7 =	vmov v23  }
0x233: {  	[tilespmem:s1+$0xFFFFFF90] =	vst v16;
	v16 =	vadd.f32 v24, v8;
	v18 =	vmul.f32 $2.771281240e+01, v18;
	v23 =	vld [tilespmem:s28+$0xB0]  }
0x234: {  	v24 =	vld [tilespmem:s15+$0x10];
	v19 =	vmul.f32 $2.771281240e+01, v19;
	v15 =	vadd.f32 v15, v12;
	[tilespmem:s13+$0x80] =	vst v17  }
0x235: {  	[tilespmem:s1+$0xFFFFFFA0] =	vst v16;
	v16 =	vadd.f32 v18, v21;
	v14 =	vmul.f32 $2.771281240e+01, v14;
	v17 =	vld [tilespmem:s28+$0xC0]  }
0x236: {  	v18 =	vmul.f32 $2.771281240e+01, v20;
	v20 =	vld [tilespmem:s15+$0x20];
	v19 =	vadd.f32 v19, v22;
	[tilespmem:s1+$0x70] =	vst v15  }
0x237: {  	[tilespmem:s1+$0xFFFFFFB0] =	vst v16;
	v14 =	vadd.f32 v14, v11;
	v13 =	vmul.f32 $2.771281240e+01, v13;
	v15 =	vld [tilespmem:s15+$0xF0]  }
0x238: {  	v16 =	vadd.f32 v18, v7;
	v18 =	vld [tilespmem:s15+$0x30];
	[tilespmem:s1+$0xFFFFFFC0] =	vst v19;
	v19 =	vmul.f32 $2.771281240e+01, v23  }
0x239: {  	v23 =	vmul.f32 $2.771281240e+01, v24;
	v24 =	vld [tilespmem:s15+$0x40];
	[tilespmem:s1+$0xFFFFFFD0] =	vst v14;
	v13 =	vadd.f32 v13, v10  }
0x23a: {  	[tilespmem:s1+$0xFFFFFF80] =	vst v16;
	v25 =	vld [tilespmem:s15+$0x50];
	v14 =	vadd.f32 v19, v5;
	v16 =	vmul.f32 $2.771281240e+01, v17;
	v5 =	vmov v21  }
0x23b: {  	v19 =	vld [tilespmem:s15+$0x0];
	v17 =	vadd.f32 v23, v9;
	v20 =	vmul.f32 $2.771281240e+01, v20;
	[tilespmem:s1+$0xFFFFFFE0] =	vst v13  }
.Ltmp6:
0x23c: {  	v13 =	vld [tilespmem:s15+$0x60];
	v15 =	vmul.f32 $2.771281240e+01, v15;
	[tilespmem:s13+$0xB0] =	vst v14;
	v21 =	vadd.f32 v16, v6;
	v6 =	vmov v22;
	(pc) =	sbr.rel @p2 .LBB2_12-.Ltmp6, $4  }
0x23d: {  	[tilespmem:s1+$0x10] =	vst v17;
	v17 =	vadd.f32 v20, v8;
	v18 =	vmul.f32 $2.771281240e+01, v18;
	v16 =	vld [tilespmem:s28+$0xD0]  }
0x23e: {  	v14 =	vld [tilespmem:s15+$0x90];
	v22 =	vmul.f32 $2.771281240e+01, v24;
	v23 =	vadd.f32 v15, v12;
	[tilespmem:s13+$0xC0] =	vst v21  }
0x23f: {  	[tilespmem:s1+$0x20] =	vst v17;
	v12 =	vadd.f32 v18, v5;
	v18 =	vmul.f32 $2.771281240e+01, v25;
	v17 =	vld [tilespmem:s28+$0xE0];
	s28 =	smov.u32 s15  }
0x240: {  	s15 =	sadd.s32 $0x400, s15;
	v20 =	vmul.f32 $2.771281240e+01, v19;
	v15 =	vld [tilespmem:s28+$0xA0];
	v19 =	vadd.f32 v22, v6;
	[tilespmem:s1+$0xF0] =	vst v23  }
0x241: {  	_ = 	snop  }
0x242: {  	v20 =	vadd.f32 v20, v7;
	_ =	sdelay $0x1  }
0x243: {  	v13 =	vmul.f32 $2.771281240e+01, v13;
	[tilespmem:s1+$0x0] =	vst v20  }
0x244: {  	[tilespmem:s1+$0x30] =	vst v12;
	v50 =	vadd.f32 v18, v11;
	v51 =	vld [tilespmem:s28+$0x80]  }
0x245: {  	[tilespmem:s1+$0x40] =	vst v19;
	v16 =	vmul.f32 $2.771281240e+01, v16;
	v52 =	vld [tilespmem:s28+$0xB0];
	v13 =	vadd.f32 v13, v10  }
0x246: {  	v14 =	vmul.f32 $2.771281240e+01, v14;
	[tilespmem:s1+$0x50] =	vst v50;
	v53 =	vld [tilespmem:s28+$0xC0]  }
0x247: {  	v4 =	vadd.f32 v16, v4;
	v54 =	vmul.f32 $2.771281240e+01, v17;
	v55 =	vld [tilespmem:s28+$0xD0];
	[tilespmem:s1+$0x60] =	vst v13  }
0x248: {  	v9 =	vadd.f32 v14, v9;
	v56 =	vmul.f32 $2.771281240e+01, v15;
	v57 =	vld [tilespmem:s28+$0xE0]  }
0x249: {  	[tilespmem:s13+$0xD0] =	vst v4;
	v3 =	vadd.f32 v54, v3;
	v58 =	vmul.f32 $2.771281240e+01, v51  }
0x24a: {  	[tilespmem:s1+$0x90] =	vst v9;
	v8 =	vadd.f32 v56, v8;
	v59 =	vmul.f32 $2.771281240e+01, v52  }
0x24b: {  	s24 =	sadd.s32 $0x1, s24;
	[tilespmem:s13+$0xE0] =	vst v3;
	v60 =	vmul.f32 $2.771281240e+01, v53;
	v3 =	vadd.f32 v58, v7  }
0x24c: {  	p2 =	sne.s32 s24, $0x4;
	[tilespmem:s1+$0xA0] =	vst v8;
	v5 =	vadd.f32 v59, v5;
	v61 =	vmul.f32 $2.771281240e+01, v55  }
.Ltmp7:
0x24d: {  	v62 =	vmul.f32 $2.771281240e+01, v57;
	[tilespmem:s1+$0x80] =	vst v3;
	v3 =	vadd.f32 v60, v6;
	(pc) =	sbr.rel @p2 .LBB2_11-.Ltmp7, $4  }
0x24e: {  	[tilespmem:s1+$0xB0] =	vst v5;
	v63 =	vadd.f32 v61, v11  }
0x24f: {  	[tilespmem:s1+$0xC0] =	vst v3;
	v3 =	vadd.f32 v62, v10  }
0x250: {  	[tilespmem:s1+$0xD0] =	vst v63  }
0x251: {  	p1 =	por !p1, !p1;
	s26 =	sadd.s32 $0x300, s26;
	s25 =	sadd.s32 $0xC00, s25;
	[tilespmem:s1+$0xE0] =	vst v3  }
0x252: {  	s0 =	sadd.s32 s5, s0  }
0x253: {  	s0 =	smul.u32 $0x180, s0;
	_ =	sdelay $0x1  }
0x254: {  	s25 =	simm.s32 $0x0;
	s22 =	sor.u32 $0xC, s22;
	s0 =	sadd.s32 s3, s0  }
0x255: {  	[hbm4b:s0+s25] =	stream.linear.scatter [tilespmem:s30], [sflag:$0x3], $0x3000, $0x38;
	[tilespmem:$0x1E400] =	vst v63  }
0x256: {  	s26 =	simm.s32 $0x1B500;
	p1 =	por $0x0, $0x0;
	_ =	swait.ge [sflag:s21], $0x3000  }
0x257: {  	s28 =	simm.s32 $0x10;
	s29 =	simm.s32 $0x0;
	[sflag:s21] =	ssyncset.done $0x0  }
0x258: {  	s24 =	smov.u32 s7;
	s0 =	simm.s32 $0x0;
	[sflag:s21] =	ssyncadd.s32 $0xFFFFD000  }
.LBB2_15:
0x259: {  	s1 =	sshrl.u32 s0, $0x1;
	s12 =	simm.s32 $0x1  }
0x25a: {  	s1 =	smul.u32 $0x6000, s1;
	s12 =	simm.s32 @!p1 $0x0  }
0x25b: {  	s12 =	sshll.u32 s12, $0xB  }
0x25c: {  	s1 =	sor.u32 s12, s1  }
0x25d: {  	s1 =	sshra.s32 s1, $0x2  }
0x25e: {  	v6 =	vld [tilespmem:s24+$0x0];
	s1 =	sadd.s32 $0x15470, s1  }
0x25f: {  	v3 =	vld [tilespmem:s1+$0x0]  }
0x260: {  	v7 =	vld [tilespmem:s24+$0xFFFFFFA0]  }
0x261: {  	v14 =	vld [tilespmem:s24+$0xFFFFFFB0]  }
0x262: {  	v13 =	vld [tilespmem:s24+$0xFFFFFFC0]  }
0x263: {  	s17 =	sshrl.u32 s28, $0x3;
	v12 =	vld [tilespmem:s24+$0xFFFFFFD0]  }
0x264: {  	s13 =	sand.u32 $0x7, s25;
	s12 =	smul.u32 $0x6000, s17;
	v4 =	vld [tilespmem:s1+$0xFFFFFFA0];
	v3 =	vmul.f32 $2.771281240e+01, v3  }
0x265: {  	s13 =	sshll.u32 s13, $0x9;
	v5 =	vld [tilespmem:s1+$0xFFFFFF90]  }
0x266: {  	s13 =	sor.u32 s13, s12;
	v8 =	vld [tilespmem:s1+$0xFFFFFFB0];
	v3 =	vadd.f32 v3, v6  }
0x267: {  	v9 =	vld [tilespmem:s1+$0xFFFFFFC0];
	s13 =	sshra.s32 s13, $0x2  }
0x268: {  	v10 =	vld [tilespmem:s1+$0xFFFFFFD0];
	s15 =	sadd.s32 $0x12580, s13;
	[tilespmem:s26+$0xFFFFFF70] =	vst v3  }
0x269: {  	v3 =	vmul.f32 $2.771281240e+01, v4;
	v15 =	vld [tilespmem:s15+$0xFFFFFF70]  }
0x26a: {  	v11 =	vld [tilespmem:s1+$0xFFFFFFE0]  }
0x26b: {  	v16 =	vld [tilespmem:s1+$0xFFFFFFF0];
	v8 =	vmul.f32 $2.771281240e+01, v8;
	v17 =	vadd.f32 v3, v7  }
0x26c: {  	v4 =	vld [tilespmem:s24+$0xFFFFFFE0]  }
0x26d: {  	v8 =	vadd.f32 v8, v14;
	v3 =	vld [tilespmem:s24+$0xFFFFFFF0];
	[tilespmem:s26+$0xFFFFFF10] =	vst v17  }
0x26e: {  	v9 =	vmul.f32 $2.771281240e+01, v9;
	v17 =	vld [tilespmem:s15+$0xFFFFFF10];
	v18 =	vmul.f32 $2.771281240e+01, v15  }
0x26f: {  	[tilespmem:s26+$0xFFFFFF20] =	vst v8;
	v15 =	vld [tilespmem:s24+$0xFFFFFF90]  }
0x270: {  	v9 =	vadd.f32 v9, v13;
	v8 =	vmul.f32 $2.771281240e+01, v10;
	v10 =	vadd.f32 v18, v6;
	v18 =	vld [tilespmem:s15+$0xFFFFFF20]  }
0x271: {  	v11 =	vmul.f32 $2.771281240e+01, v11  }
0x272: {  	s18 =	sand.u32 $0x3, s29;
	s16 =	sadd.s32 $0x400, s1;
	v5 =	vmul.f32 $2.771281240e+01, v5;
	[tilespmem:s26+$0xFFFFFF30] =	vst v9;
	v8 =	vadd.f32 v8, v12  }
0x273: {  	s13 =	sshll.u32 s18, $0xA;
	v21 =	vld [tilespmem:s16+$0xFFFFFF90];
	v11 =	vadd.f32 v11, v4;
	[tilespmem:s26+$0xFFFFFFF0] =	vst v10;
	v10 =	vmul.f32 $2.771281240e+01, v16  }
0x274: {  	s12 =	sor.u32 s13, s12;
	[tilespmem:s26+$0xFFFFFF40] =	vst v8;
	v16 =	vld [tilespmem:s15+$0xFFFFFF30];
	v8 =	vmul.f32 $2.771281240e+01, v17;
	v5 =	vadd.f32 v5, v15  }
0x275: {  	s12 =	sshra.s32 s12, $0x2;
	[tilespmem:s26+$0xFFFFFF50] =	vst v11;
	v17 =	vld [tilespmem:s15+$0xFFFFFF40];
	v10 =	vadd.f32 v10, v3;
	v11 =	vmul.f32 $2.771281240e+01, v18  }
0x276: {  	s14 =	sadd.s32 $0x12570, s12;
	v8 =	vadd.f32 v8, v7;
	[tilespmem:s26+$0xFFFFFF00] =	vst v5;
	v5 =	vld [tilespmem:s15+$0xFFFFFF50]  }
0x277: {  	v9 =	vld [tilespmem:s14+$0x0];
	[tilespmem:s26+$0xFFFFFF60] =	vst v10;
	v10 =	vadd.f32 v11, v14  }
0x278: {  	[tilespmem:s26+$0xFFFFFF90] =	vst v8;
	v11 =	vld [tilespmem:s15+$0xFFFFFF60]  }
0x279: {  	v22 =	vld [tilespmem:s16+$0xFFFFFFA0];
	v8 =	vmul.f32 $2.771281240e+01, v16;
	[tilespmem:s26+$0xFFFFFFA0] =	vst v10  }
0x27a: {  	v10 =	vmul.f32 $2.771281240e+01, v17;
	v17 =	vld [tilespmem:s14+$0xFFFFFFB0]  }
0x27b: {  	v18 =	vld [tilespmem:s15+$0xFFFFFF00];
	v8 =	vadd.f32 v8, v13;
	v5 =	vmul.f32 $2.771281240e+01, v5  }
0x27c: {  	v23 =	vld [tilespmem:s16+$0xFFFFFFB0];
	v9 =	vmul.f32 $2.771281240e+01, v9  }
0x27d: {  	v24 =	vld [tilespmem:s16+$0xFFFFFFC0];
	[tilespmem:s26+$0xFFFFFFB0] =	vst v8;
	v5 =	vadd.f32 v5, v4;
	v8 =	vmul.f32 $2.771281240e+01, v11  }
0x27e: {  	v25 =	vld [tilespmem:s16+$0xFFFFFFD0];
	v9 =	vadd.f32 v9, v6  }
0x27f: {  	v16 =	vld [tilespmem:s14+$0xFFFFFFA0];
	[tilespmem:s26+$0xFFFFFFD0] =	vst v5;
	v5 =	vadd.f32 v8, v3;
	v8 =	vmul.f32 $2.771281240e+01, v17  }
0x280: {  	v26 =	vld [tilespmem:s16+$0xFFFFFFE0];
	v18 =	vmul.f32 $2.771281240e+01, v18;
	[tilespmem:s26+$0x70] =	vst v9  }
0x281: {  	v9 =	vld [tilespmem:s15+$0x70];
	[tilespmem:s26+$0xFFFFFFE0] =	vst v5;
	v5 =	vadd.f32 v8, v14  }
0x282: {  	v10 =	vadd.f32 v10, v12;
	v11 =	vadd.f32 v18, v15;
	v18 =	vld [tilespmem:s14+$0xFFFFFFC0]  }
0x283: {  	s12 =	sadd.s32 $0x80, s24;
	[tilespmem:s26+$0x20] =	vst v5;
	v5 =	vld [tilespmem:s16+$0x0]  }
0x284: {  	[tilespmem:s26+$0xFFFFFFC0] =	vst v10;
	v10 =	vmul.f32 $2.771281240e+01, v16;
	v16 =	vld [tilespmem:s12+$0x0]  }
0x285: {  	[tilespmem:s26+$0xFFFFFF80] =	vst v11;
	v11 =	vld [tilespmem:s14+$0xFFFFFFE0]  }
0x286: {  	v19 =	vld [tilespmem:s14+$0xFFFFFFD0]  }
0x287: {  	v27 =	vld [tilespmem:s16+$0xFFFFFFF0];
	v10 =	vadd.f32 v10, v7;
	v9 =	vmul.f32 $2.771281240e+01, v9  }
0x288: {  	v17 =	vld [tilespmem:s14+$0xFFFFFF90];
	v5 =	vmul.f32 $2.771281240e+01, v5  }
0x289: {  	v8 =	vld [tilespmem:s14+$0xFFFFFFF0];
	[tilespmem:s26+$0x10] =	vst v10;
	v18 =	vmul.f32 $2.771281240e+01, v18;
	v6 =	vadd.f32 v9, v6  }
0x28a: {  	v10 =	vld [tilespmem:s15+$0x10];
	v11 =	vmul.f32 $2.771281240e+01, v11;
	v5 =	vadd.f32 v5, v16  }
0x28b: {  	s1 =	sadd.s32 $0x200, s26;
	v19 =	vmul.f32 $2.771281240e+01, v19;
	v20 =	vld [tilespmem:s15+$0x20];
	v18 =	vadd.f32 v18, v13;
	[tilespmem:s26+$0xF0] =	vst v6  }
0x28c: {  	s13 =	sadd.s32 $0x400, s15;
	v9 =	vld [tilespmem:s12+$0xFFFFFFA0];
	v6 =	vadd.f32 v11, v4;
	[tilespmem:s1+$0xFFFFFF70] =	vst v5  }
0x28d: {  	[tilespmem:s26+$0x30] =	vst v18;
	v5 =	vmul.f32 $2.771281240e+01, v17;
	v17 =	vadd.f32 v19, v12;
	v19 =	vld [tilespmem:s13+$0xFFFFFF70]  }
0x28e: {  	v11 =	vmul.f32 $2.771281240e+01, v8;
	v8 =	vld [tilespmem:s12+$0xFFFFFFB0];
	[tilespmem:s26+$0x50] =	vst v6  }
0x28f: {  	v6 =	vld [tilespmem:s12+$0xFFFFFFD0];
	v18 =	vadd.f32 v5, v15;
	[tilespmem:s26+$0x40] =	vst v17;
	v17 =	vmul.f32 $2.771281240e+01, v22  }
0x290: {  	v10 =	vmul.f32 $2.771281240e+01, v10;
	v5 =	vld [tilespmem:s12+$0xFFFFFFC0];
	v22 =	vadd.f32 v11, v3  }
0x291: {  	v11 =	vld [tilespmem:s12+$0xFFFFFFE0];
	[tilespmem:s26+$0x0] =	vst v18;
	v18 =	vmul.f32 $2.771281240e+01, v23;
	v17 =	vadd.f32 v17, v9  }
0x292: {  	v23 =	vadd.f32 v10, v7;
	[tilespmem:s26+$0x60] =	vst v22;
	v10 =	vld [tilespmem:s12+$0xFFFFFFF0];
	v19 =	vmul.f32 $2.771281240e+01, v19  }
0x293: {  	v22 =	vmul.f32 $2.771281240e+01, v24;
	v7 =	vld [tilespmem:s12+$0xFFFFFF90];
	[tilespmem:s1+$0xFFFFFF10] =	vst v17;
	v17 =	vadd.f32 v18, v8  }
0x294: {  	[tilespmem:s26+$0x90] =	vst v23;
	v18 =	vmul.f32 $2.771281240e+01, v25;
	v23 =	vld [tilespmem:s13+$0xFFFFFF10];
	v19 =	vadd.f32 v19, v16  }
0x295: {  	v60 =	vmul.f32 $2.771281240e+01, v26;
	v22 =	vadd.f32 v22, v5;
	[tilespmem:s1+$0xFFFFFF20] =	vst v17;
	v17 =	vld [tilespmem:s15+$0x0]  }
0x296: {  	v21 =	vmul.f32 $2.771281240e+01, v21;
	s14 =	sadd.s32 $0x400, s14;
	v18 =	vadd.f32 v18, v6;
	[tilespmem:s1+$0xFFFFFFF0] =	vst v19;
	v19 =	vld [tilespmem:s13+$0xFFFFFF20]  }
0x297: {  	v61 =	vmul.f32 $2.771281240e+01, v27;
	v24 =	vadd.f32 v60, v11;
	[tilespmem:s1+$0xFFFFFF30] =	vst v22;
	v22 =	vld [tilespmem:s14+$0x0]  }
0x298: {  	v20 =	vmul.f32 $2.771281240e+01, v20;
	v21 =	vadd.f32 v21, v7;
	[tilespmem:s1+$0xFFFFFF40] =	vst v18;
	v18 =	vld [tilespmem:s13+$0xFFFFFF30]  }
0x299: {  	v25 =	vadd.f32 v61, v10;
	[tilespmem:s1+$0xFFFFFF50] =	vst v24;
	v62 =	vld [tilespmem:s13+$0xFFFFFF40];
	v23 =	vmul.f32 $2.771281240e+01, v23  }
0x29a: {  	v14 =	vadd.f32 v20, v14;
	v20 =	vld [tilespmem:s13+$0xFFFFFF50];
	[tilespmem:s1+$0xFFFFFF00] =	vst v21;
	v17 =	vmul.f32 $2.771281240e+01, v17  }
0x29b: {  	[tilespmem:s1+$0xFFFFFF60] =	vst v25;
	v21 =	vld [tilespmem:s13+$0xFFFFFF00];
	v23 =	vadd.f32 v23, v9;
	v19 =	vmul.f32 $2.771281240e+01, v19  }
0x29c: {  	[tilespmem:s26+$0xA0] =	vst v14;
	v14 =	vld [tilespmem:s13+$0xFFFFFF60];
	v15 =	vadd.f32 v17, v15;
	v22 =	vmul.f32 $2.771281240e+01, v22  }
0x29d: {  	v18 =	vmul.f32 $2.771281240e+01, v18;
	[tilespmem:s1+$0xFFFFFF90] =	vst v23;
	v17 =	vadd.f32 v19, v8;
	v19 =	vld [tilespmem:s15+$0x30]  }
0x29e: {  	v24 =	vmul.f32 $2.771281240e+01, v62;
	v23 =	vld [tilespmem:s14+$0xFFFFFFA0];
	[tilespmem:s26+$0x80] =	vst v15;
	v22 =	vadd.f32 v22, v16  }
0x29f: {  	v15 =	vadd.f32 v18, v5;
	v18 =	vld [tilespmem:s15+$0x40];
	[tilespmem:s1+$0xFFFFFFA0] =	vst v17;
	v17 =	vmul.f32 $2.771281240e+01, v20  }
0x2a0: {  	v24 =	vadd.f32 v24, v6;
	v20 =	vmul.f32 $2.771281240e+01, v21;
	v21 =	vld [tilespmem:s14+$0xFFFFFFB0];
	[tilespmem:s1+$0x70] =	vst v22  }
0x2a1: {  	v14 =	vmul.f32 $2.771281240e+01, v14;
	[tilespmem:s1+$0xFFFFFFB0] =	vst v15;
	v15 =	vadd.f32 v17, v11;
	v17 =	vld [tilespmem:s13+$0x70]  }
0x2a2: {  	v22 =	vld [tilespmem:s14+$0xFFFFFFC0];
	[tilespmem:s1+$0xFFFFFFC0] =	vst v24;
	v20 =	vadd.f32 v20, v7;
	v19 =	vmul.f32 $2.771281240e+01, v19  }
0x2a3: {  	v14 =	vadd.f32 v14, v10;
	v24 =	vld [tilespmem:s14+$0xFFFFFFD0];
	v23 =	vmul.f32 $2.771281240e+01, v23;
	[tilespmem:s1+$0xFFFFFFD0] =	vst v15  }
0x2a4: {  	v18 =	vmul.f32 $2.771281240e+01, v18;
	[tilespmem:s1+$0xFFFFFF80] =	vst v20;
	v15 =	vld [tilespmem:s14+$0xFFFFFFE0];
	v19 =	vadd.f32 v19, v13  }
0x2a5: {  	[tilespmem:s1+$0xFFFFFFE0] =	vst v14;
	v20 =	vld [tilespmem:s14+$0xFFFFFF90];
	v23 =	vadd.f32 v23, v9;
	v21 =	vmul.f32 $2.771281240e+01, v21  }
0x2a6: {  	v13 =	vld [tilespmem:s14+$0xFFFFFFF0];
	v12 =	vadd.f32 v18, v12;
	v63 =	vmul.f32 $2.771281240e+01, v17;
	[tilespmem:s26+$0xB0] =	vst v19  }
0x2a7: {  	[tilespmem:s1+$0x10] =	vst v23;
	v19 =	vmul.f32 $2.771281240e+01, v22;
	v17 =	vld [tilespmem:s15+$0x50];
	v18 =	vadd.f32 v21, v8  }
0x2a8: {  	[tilespmem:s26+$0xC0] =	vst v12;
	v14 =	vld [tilespmem:s13+$0x10];
	v21 =	vmul.f32 $2.771281240e+01, v24;
	v22 =	vadd.f32 v63, v16  }
0x2a9: {  	s18 =	simm.s32 $0x8;
	v12 =	vadd.f32 v19, v5;
	v16 =	vld [tilespmem:s15+$0x60];
	[tilespmem:s1+$0x20] =	vst v18;
	v18 =	vmul.f32 $2.771281240e+01, v15  }
0x2aa: {  	s17 =	smov.u32 s13;
	s16 =	sadd.s32 $0x400, s16;
	s15 =	smov.u32 s26;
	v20 =	vmul.f32 $2.771281240e+01, v20;
	v19 =	vadd.f32 v21, v6;
	v15 =	vld [tilespmem:s13+$0x20];
	[tilespmem:s1+$0xF0] =	vst v22  }
.LBB2_16:
0x2ab: {  	v21 =	vld [tilespmem:s16+$0x0];
	s18 =	sadd.s32 $0x8, s18;
	[tilespmem:s1+$0x30] =	vst v12;
	v18 =	vadd.f32 v18, v11;
	v13 =	vmul.f32 $2.771281240e+01, v13  }
0x2ac: {  	s12 =	sadd.s32 $0x80, s12;
	v22 =	vld [tilespmem:s16+$0xFFFFFF90];
	p2 =	slt.u32 s18, $0x28;
	v20 =	vadd.f32 v20, v7;
	[tilespmem:s1+$0x40] =	vst v19;
	v17 =	vmul.f32 $2.771281240e+01, v17  }
0x2ad: {  	v12 =	vld [tilespmem:s12+$0x0];
	v14 =	vmul.f32 $2.771281240e+01, v14;
	[tilespmem:s1+$0x50] =	vst v18;
	v13 =	vadd.f32 v13, v10  }
0x2ae: {  	v18 =	vld [tilespmem:s16+$0xFFFFFFA0];
	[tilespmem:s1+$0x0] =	vst v20;
	v17 =	vadd.f32 v17, v4;
	v16 =	vmul.f32 $2.771281240e+01, v16;
	v4 =	vmov v11  }
0x2af: {  	v11 =	vld [tilespmem:s16+$0xFFFFFFB0];
	v9 =	vadd.f32 v14, v9;
	v14 =	vmul.f32 $2.771281240e+01, v15;
	[tilespmem:s1+$0x60] =	vst v13  }
0x2b0: {  	v13 =	vld [tilespmem:s16+$0xFFFFFFC0];
	v15 =	vmul.f32 $2.771281240e+01, v21;
	[tilespmem:s15+$0xD0] =	vst v17;
	v16 =	vadd.f32 v16, v3;
	v3 =	vmov v10  }
0x2b1: {  	v17 =	vmul.f32 $2.771281240e+01, v22;
	v10 =	vld [tilespmem:s16+$0xFFFFFFD0];
	[tilespmem:s1+$0x90] =	vst v9;
	v8 =	vadd.f32 v14, v8  }
0x2b2: {  	v14 =	vld [tilespmem:s16+$0xFFFFFFE0];
	v15 =	vadd.f32 v15, v12;
	[tilespmem:s15+$0xE0] =	vst v16;
	s15 =	smov.u32 s1  }
0x2b3: {  	s1 =	sadd.s32 $0x200, s1;
	v16 =	vmul.f32 $2.771281240e+01, v18;
	v18 =	vld [tilespmem:s16+$0xFFFFFFF0];
	[tilespmem:s15+$0xA0] =	vst v8  }
0x2b4: {  	s13 =	sadd.s32 $0x400, s13;
	v9 =	vld [tilespmem:s12+$0xFFFFFFA0];
	v19 =	vmul.f32 $2.771281240e+01, v11;
	[tilespmem:s1+$0xFFFFFF70] =	vst v15  }
0x2b5: {  	v13 =	vmul.f32 $2.771281240e+01, v13;
	v15 =	vld [tilespmem:s13+$0xFFFFFF70]  }
0x2b6: {  	v8 =	vld [tilespmem:s12+$0xFFFFFFB0];
	v20 =	vmul.f32 $2.771281240e+01, v10  }
0x2b7: {  	v21 =	vld [tilespmem:s12+$0xFFFFFFC0];
	v14 =	vmul.f32 $2.771281240e+01, v14  }
0x2b8: {  	v22 =	vld [tilespmem:s12+$0xFFFFFFD0];
	v18 =	vmul.f32 $2.771281240e+01, v18  }
0x2b9: {  	v16 =	vadd.f32 v16, v9;
	v11 =	vld [tilespmem:s12+$0xFFFFFFE0]  }
0x2ba: {  	v10 =	vld [tilespmem:s12+$0xFFFFFFF0];
	v15 =	vmul.f32 $2.771281240e+01, v15  }
0x2bb: {  	v23 =	vld [tilespmem:s12+$0xFFFFFF90];
	[tilespmem:s1+$0xFFFFFF10] =	vst v16;
	v16 =	vadd.f32 v19, v8  }
0x2bc: {  	v19 =	vld [tilespmem:s13+$0xFFFFFF10];
	v13 =	vadd.f32 v13, v21;
	v15 =	vadd.f32 v15, v12  }
0x2bd: {  	[tilespmem:s1+$0xFFFFFF20] =	vst v16;
	v16 =	vadd.f32 v20, v22;
	v20 =	vld [tilespmem:s17+$0x0]  }
0x2be: {  	s14 =	sadd.s32 $0x400, s14;
	v24 =	vld [tilespmem:s13+$0xFFFFFF20];
	v14 =	vadd.f32 v14, v11;
	[tilespmem:s1+$0xFFFFFFF0] =	vst v15  }
0x2bf: {  	[tilespmem:s1+$0xFFFFFF30] =	vst v13;
	v13 =	vadd.f32 v18, v10;
	v15 =	vld [tilespmem:s14+$0x0]  }
0x2c0: {  	v17 =	vadd.f32 v17, v23;
	v18 =	vld [tilespmem:s13+$0xFFFFFF30];
	[tilespmem:s1+$0xFFFFFF40] =	vst v16  }
0x2c1: {  	v16 =	vmul.f32 $2.771281240e+01, v19;
	v19 =	vld [tilespmem:s13+$0xFFFFFF40];
	[tilespmem:s1+$0xFFFFFF50] =	vst v14  }
0x2c2: {  	[tilespmem:s1+$0xFFFFFF00] =	vst v17;
	v14 =	vld [tilespmem:s13+$0xFFFFFF50];
	v17 =	vmul.f32 $2.771281240e+01, v20  }
0x2c3: {  	v20 =	vld [tilespmem:s13+$0xFFFFFF00];
	v16 =	vadd.f32 v16, v9;
	v24 =	vmul.f32 $2.771281240e+01, v24;
	[tilespmem:s1+$0xFFFFFF60] =	vst v13  }
0x2c4: {  	v13 =	vld [tilespmem:s13+$0xFFFFFF60];
	v15 =	vmul.f32 $2.771281240e+01, v15;
	v17 =	vadd.f32 v17, v7;
	v7 =	vmov v23  }
0x2c5: {  	[tilespmem:s1+$0xFFFFFF90] =	vst v16;
	v16 =	vadd.f32 v24, v8;
	v18 =	vmul.f32 $2.771281240e+01, v18;
	v23 =	vld [tilespmem:s17+$0x30]  }
0x2c6: {  	v24 =	vld [tilespmem:s14+$0xFFFFFFA0];
	v19 =	vmul.f32 $2.771281240e+01, v19;
	v15 =	vadd.f32 v15, v12;
	[tilespmem:s15+$0x80] =	vst v17  }
0x2c7: {  	[tilespmem:s1+$0xFFFFFFA0] =	vst v16;
	v16 =	vadd.f32 v18, v21;
	v14 =	vmul.f32 $2.771281240e+01, v14;
	v17 =	vld [tilespmem:s17+$0x40]  }
0x2c8: {  	v18 =	vmul.f32 $2.771281240e+01, v20;
	v20 =	vld [tilespmem:s14+$0xFFFFFFB0];
	v19 =	vadd.f32 v19, v22;
	[tilespmem:s1+$0x70] =	vst v15  }
0x2c9: {  	[tilespmem:s1+$0xFFFFFFB0] =	vst v16;
	v14 =	vadd.f32 v14, v11;
	v13 =	vmul.f32 $2.771281240e+01, v13;
	v15 =	vld [tilespmem:s13+$0x70]  }
0x2ca: {  	v16 =	vadd.f32 v18, v7;
	v18 =	vld [tilespmem:s14+$0xFFFFFFC0];
	[tilespmem:s1+$0xFFFFFFC0] =	vst v19;
	v19 =	vmul.f32 $2.771281240e+01, v23  }
0x2cb: {  	v23 =	vmul.f32 $2.771281240e+01, v24;
	v24 =	vld [tilespmem:s14+$0xFFFFFFD0];
	[tilespmem:s1+$0xFFFFFFD0] =	vst v14;
	v13 =	vadd.f32 v13, v10  }
0x2cc: {  	[tilespmem:s1+$0xFFFFFF80] =	vst v16;
	v16 =	vld [tilespmem:s14+$0xFFFFFFE0];
	v14 =	vadd.f32 v19, v5;
	v17 =	vmul.f32 $2.771281240e+01, v17;
	v5 =	vmov v21  }
0x2cd: {  	v19 =	vld [tilespmem:s14+$0xFFFFFF90];
	v21 =	vadd.f32 v23, v9;
	v20 =	vmul.f32 $2.771281240e+01, v20;
	[tilespmem:s1+$0xFFFFFFE0] =	vst v13  }
.Ltmp8:
0x2ce: {  	v13 =	vld [tilespmem:s14+$0xFFFFFFF0];
	v15 =	vmul.f32 $2.771281240e+01, v15;
	[tilespmem:s15+$0xB0] =	vst v14;
	v23 =	vadd.f32 v17, v6;
	v6 =	vmov v22;
	(pc) =	sbr.rel @p2 .LBB2_16-.Ltmp8, $4  }
0x2cf: {  	[tilespmem:s1+$0x10] =	vst v21;
	v20 =	vadd.f32 v20, v8;
	v18 =	vmul.f32 $2.771281240e+01, v18;
	v17 =	vld [tilespmem:s17+$0x50]  }
0x2d0: {  	v14 =	vld [tilespmem:s13+$0x10];
	v21 =	vmul.f32 $2.771281240e+01, v24;
	v22 =	vadd.f32 v15, v12;
	[tilespmem:s15+$0xC0] =	vst v23  }
0x2d1: {  	[tilespmem:s1+$0x20] =	vst v20;
	v12 =	vadd.f32 v18, v5;
	v18 =	vmul.f32 $2.771281240e+01, v16;
	v16 =	vld [tilespmem:s17+$0x60];
	s17 =	smov.u32 s13  }
0x2d2: {  	s16 =	sadd.s32 $0x400, s16;
	v20 =	vmul.f32 $2.771281240e+01, v19;
	v15 =	vld [tilespmem:s13+$0x20];
	v19 =	vadd.f32 v21, v6;
	[tilespmem:s1+$0xF0] =	vst v22  }
0x2d3: {  	_ = 	snop  }
0x2d4: {  	v20 =	vadd.f32 v20, v7;
	_ =	sdelay $0x1  }
0x2d5: {  	v13 =	vmul.f32 $2.771281240e+01, v13;
	[tilespmem:s1+$0x0] =	vst v20  }
0x2d6: {  	[tilespmem:s1+$0x30] =	vst v12;
	v51 =	vadd.f32 v18, v11;
	v52 =	vld [tilespmem:s17+$0x0]  }
0x2d7: {  	[tilespmem:s1+$0x40] =	vst v19;
	v17 =	vmul.f32 $2.771281240e+01, v17;
	v53 =	vld [tilespmem:s17+$0x30];
	v13 =	vadd.f32 v13, v10  }
0x2d8: {  	v14 =	vmul.f32 $2.771281240e+01, v14;
	[tilespmem:s1+$0x50] =	vst v51;
	v54 =	vld [tilespmem:s17+$0x40]  }
0x2d9: {  	v4 =	vadd.f32 v17, v4;
	v16 =	vmul.f32 $2.771281240e+01, v16;
	v55 =	vld [tilespmem:s17+$0x50];
	[tilespmem:s1+$0x60] =	vst v13  }
0x2da: {  	v9 =	vadd.f32 v14, v9;
	v56 =	vmul.f32 $2.771281240e+01, v15;
	v57 =	vld [tilespmem:s17+$0x60]  }
0x2db: {  	[tilespmem:s15+$0xD0] =	vst v4;
	v3 =	vadd.f32 v16, v3;
	v58 =	vmul.f32 $2.771281240e+01, v52  }
0x2dc: {  	[tilespmem:s1+$0x90] =	vst v9;
	v8 =	vadd.f32 v56, v8;
	v59 =	vmul.f32 $2.771281240e+01, v53  }
0x2dd: {  	s0 =	sadd.s32 $0x1, s0;
	[tilespmem:s15+$0xE0] =	vst v3;
	v60 =	vmul.f32 $2.771281240e+01, v54;
	v3 =	vadd.f32 v58, v7  }
0x2de: {  	p2 =	sne.s32 s0, $0x4;
	[tilespmem:s1+$0xA0] =	vst v8;
	v5 =	vadd.f32 v59, v5;
	v61 =	vmul.f32 $2.771281240e+01, v55  }
.Ltmp9:
0x2df: {  	v62 =	vmul.f32 $2.771281240e+01, v57;
	[tilespmem:s1+$0x80] =	vst v3;
	v3 =	vadd.f32 v60, v6;
	(pc) =	sbr.rel @p2 .LBB2_15-.Ltmp9, $4  }
0x2e0: {  	[tilespmem:s1+$0xB0] =	vst v5;
	v63 =	vadd.f32 v61, v11  }
0x2e1: {  	[tilespmem:s1+$0xC0] =	vst v3;
	v3 =	vadd.f32 v62, v10  }
0x2e2: {  	s24 =	sadd.s32 $0x300, s24;
	s26 =	sadd.s32 $0xC00, s26;
	p1 =	por !p1, !p1;
	[tilespmem:s1+$0xD0] =	vst v63  }
0x2e3: {  	s28 =	sadd.s32 $0x4, s28;
	s29 =	sadd.s32 $0x2, s29;
	s25 =	sadd.s32 $0x4, s25;
	[tilespmem:s1+$0xE0] =	vst v3  }
.Ltmp10:
0x2e4: {  	s0 =	sadd.s32 s5, s22;
	(pc) =	sbr.rel @p0 .LBB2_20-.Ltmp10, $3  }
0x2e5: {  	s0 =	smul.u32 $0x180, s0;
	_ =	sdelay $0x1  }
0x2e6: {  	s1 =	simm.s32 $0x1B400;
	s0 =	sadd.s32 s3, s0  }
0x2e7: {  	[hbm4b:s0+s4] =	stream.linear.scatter [tilespmem:s1], [sflag:$0x4], $0x3000, $0x38;
	[tilespmem:$0x1E400] =	vst v63  }
0x2e8: {  	s0 =	sshrl.u32 s11, $0x2  }
0x2e9: {  	v3 =	vld [tilespmem:s0+$0x180];
	_ =	sdelay $0x4  }
0x2ea: {  	v4 =	vshrl.u32 v3, $0x3  }
0x2eb: {  	v4 =	vmul.u32 $0x30, v4  }
0x2ec: {  	v3 =	vand.u32 $0x7, v3  }
0x2ed: {  	v3 =	vor.u32 v3, v4  }
0x2ee: {  	v4 =	vperm.xlane v3, v0;
	_ =	sdelay $0x1  }
0x2ef: {  	v4 =	vadd.s32 v1, v4;
	_ =	sdelay $0x3  }
0x2f0: {  	s1 =	simm.s32 $0x12400;
	v3 =	vperm.xlane v3, v2  }
0x2f1: {  	[tilespmem:s1], [sflag:$0x2] =	stream.indirect_vreg.gather [hbm4b:s2+s4], $0x80, v4, vm0, $0xb8;
	[tilespmem:$0x1E400] =	vst v63  }
0x2f2: {  	s14 =	simm.s32 $0x12C00;
	v3 =	vadd.s32 v1, v3  }
0x2f3: {  	[tilespmem:s14], [sflag:$0x2] =	stream.indirect_vreg.gather [hbm4b:s8+s4], $0x80, v4, vm0, $0xb8;
	[tilespmem:$0x1E400] =	vst v63  }
0x2f4: {  	s15 =	simm.s32 $0x13400  }
0x2f5: {  	[tilespmem:s15], [sflag:$0x2] =	stream.indirect_vreg.gather [hbm4b:s9+s4], $0x80, v4, vm0, $0xb8;
	[tilespmem:$0x1E400] =	vst v63  }
0x2f6: {  	s16 =	simm.s32 $0x13C00  }
0x2f7: {  	[tilespmem:s16], [sflag:$0x2] =	stream.indirect_vreg.gather [hbm4b:s2+s4], $0x80, v3, vm0, $0xb8;
	[tilespmem:$0x1E400] =	vst v63  }
0x2f8: {  	s17 =	simm.s32 $0x14400  }
0x2f9: {  	[tilespmem:s17], [sflag:$0x2] =	stream.indirect_vreg.gather [hbm4b:s8+s4], $0x80, v3, vm0, $0xb8;
	[tilespmem:$0x1E400] =	vst v63  }
0x2fa: {  	s18 =	simm.s32 $0x14C00  }
0x2fb: {  	[tilespmem:s18], [sflag:$0x2] =	stream.indirect_vreg.gather [hbm4b:s9+s4], $0x80, v3, vm0, $0xb8;
	[tilespmem:$0x1E400] =	vst v63  }
0x2fc: {  	v3 =	vld [tilespmem:s0+$0x190];
	_ =	sdelay $0x4  }
0x2fd: {  	v63 =	vshrl.u32 v3, $0x3  }
0x2fe: {  	v4 =	vmul.u32 $0x30, v63  }
0x2ff: {  	v3 =	vand.u32 $0x7, v3  }
0x300: {  	v3 =	vor.u32 v3, v4  }
0x301: {  	v4 =	vperm.xlane v3, v0;
	_ =	sdelay $0x1  }
0x302: {  	v4 =	vadd.s32 v1, v4;
	_ =	sdelay $0x3  }
0x303: {  	s22 =	simm.s32 $0x15400;
	v3 =	vperm.xlane v3, v2  }
0x304: {  	[tilespmem:s22], [sflag:$0x2] =	stream.indirect_vreg.gather [hbm4b:s2+s4], $0x80, v4, vm0, $0xb8;
	[tilespmem:$0x1E400] =	vst v63  }
0x305: {  	s24 =	simm.s32 $0x15C00;
	v3 =	vadd.s32 v1, v3  }
0x306: {  	[tilespmem:s24], [sflag:$0x2] =	stream.indirect_vreg.gather [hbm4b:s8+s4], $0x80, v4, vm0, $0xb8;
	[tilespmem:$0x1E400] =	vst v63  }
0x307: {  	s25 =	simm.s32 $0x16400  }
0x308: {  	[tilespmem:s25], [sflag:$0x2] =	stream.indirect_vreg.gather [hbm4b:s9+s4], $0x80, v4, vm0, $0xb8;
	[tilespmem:$0x1E400] =	vst v63  }
0x309: {  	s26 =	simm.s32 $0x16C00  }
0x30a: {  	[tilespmem:s26], [sflag:$0x2] =	stream.indirect_vreg.gather [hbm4b:s2+s4], $0x80, v3, vm0, $0xb8;
	[tilespmem:$0x1E400] =	vst v63  }
.Ltmp11:
0x30b: {  	s28 =	simm.s32 $0x17400;
	(pc) =	sbr.rel .LBB2_2-.Ltmp11, $4  }
0x30c: {  	s29 =	simm.s32 $0x17C00;
	s10 =	sadd.s32 $0x1, s10;
	s23 =	sadd.s32 $0x3000, s23  }
0x30d: {  	[tilespmem:s28], [sflag:$0x2] =	stream.indirect_vreg.gather [hbm4b:s8+s4], $0x80, v3, vm0, $0xb8;
	[tilespmem:$0x1E400] =	vst v63  }
0x30e: {  	s31 =	sadd.s32 $0x3000, s31;
	s6 =	sadd.s32 $0x3000, s6;
	s7 =	sadd.s32 $0x3000, s7  }
0x30f: {  	[tilespmem:s29], [sflag:$0x2] =	stream.indirect_vreg.gather [hbm4b:s9+s4], $0x80, v3, vm0, $0xb8;
	[tilespmem:$0x1E400] =	vst v63  }
.LBB2_21:
0x310: {  	_ =	sfence.sel $0x180000  }
0x311: {  	[bflag:$0x0] =	sbarrier.arrive $0xFFFF  }
0x312: {  	_ =	strace $0x90000047  }
0x313: {  	s0 =	stileid.u32;
	[bflag:$0x2] =	sbarrier.arrive $0xFFFF  }
0x314: {  	p0 =	sne.s32 s0, $0x0;
	s0 =	rddreg [dreg:$0x4]  }
0x315: {  	s0 =	sadd.s32 @!p0 $0x100000, s0  }
0x316: {  	[sflag:s0] =	ssyncadd.tile.s32 @!p0 $0x1;
	_ =	shalt  }
.Lfunc_end2:
_tile_overlayer_lowered:
.L_overlay_start_2:
0x317: {  	(tag) =	ssettag $0x2  }
0x318: {  	s0 =	rddreg [dreg:$0x0];
	s2 =	stileid.u32  }
0x319: {  	s1 =	rddreg [dreg:$0x1];
	p0 =	sne.s32 s2, $0x0  }
0x31a: {  	s3 =	rddreg [dreg:$0x2];
	[bflag:$0x3] =	sbarrier.arrive $0xFFFF;
	s2 =	simm.s32 @!p0 $0x1C05  }
0x31b: {  	[timem:s3], [sflag:s2] =	dma.local @!p0 [hbm:s0], s1  }
0x31c: {  	s0 =	simm.s32 @!p0 $0x5  }
0x31d: {  	_ =	swait.ge @!p0 [sflag:s0], s1  }
0x31e: {  	s1 =	ssub.s32 @!p0 $0x0, s1;
	[sflag:s0] =	ssyncset.done @!p0 $0x0  }
0x31f: {  	[sflag:s0] =	ssyncadd.s32 @!p0 s1  }
0x320: {  	[bflag:$0x3] =	sbarrier.arrive $0xFFFF  }
0x321: {  	_ =	shalt  }

</sc_bundles>
